<compile_context>
chip_gen: v7x
topology: tpu7x:2x2x1
jax: 0.10.2.dev20260603
libtpu: 0.0.44.dev20260713+nightly
codegen_flags: <defaults>
</compile_context>

<pallas_src>
import functools

import jax
import jax.numpy as jnp
from jax import lax
from jax.experimental import pallas as pl
from jax.experimental.pallas import tpu as pltpu
from jax.experimental.pallas import tpu_sc as plsc

_BATCH = 16384
_D = 32
_L = 16
_NC, _NS = 2, 16
_NW = _NC * _NS
_ROWS_PER_W = _BATCH // _NW
_CHUNK = 128
_NCHUNK = _ROWS_PER_W // _CHUNK
_LAMBDA = 1e-05


def _sc_body(h_hbm, r_hbm, pos_hbm, neg_hbm,
             ent_re_hbm, ent_im_hbm, rel_re_hbm, rel_im_hbm,
             ddiff_hbm, sq_hbm,
             hidx, ridx, pidx, nidx,
             hre, him, trep, timp, tren, timn, rre, rim,
             dbuf, sqbuf, sem):
    wid = lax.axis_index("s") * _NC + lax.axis_index("c")
    acc = jnp.zeros((_L,), jnp.float32)
    for c in range(_NCHUNK):
        base = wid * _ROWS_PER_W + c * _CHUNK
        pltpu.sync_copy(h_hbm.at[pl.ds(base, _CHUNK)], hidx)
        pltpu.sync_copy(r_hbm.at[pl.ds(base, _CHUNK)], ridx)
        pltpu.sync_copy(pos_hbm.at[pl.ds(base, _CHUNK)], pidx)
        pltpu.sync_copy(neg_hbm.at[pl.ds(base, _CHUNK)], nidx)
        copies = [
            pltpu.async_copy(ent_re_hbm.at[hidx], hre, sem),
            pltpu.async_copy(ent_im_hbm.at[hidx], him, sem),
            pltpu.async_copy(ent_re_hbm.at[pidx], trep, sem),
            pltpu.async_copy(ent_im_hbm.at[pidx], timp, sem),
            pltpu.async_copy(ent_re_hbm.at[nidx], tren, sem),
            pltpu.async_copy(ent_im_hbm.at[nidx], timn, sem),
            pltpu.async_copy(rel_re_hbm.at[ridx], rre, sem),
            pltpu.async_copy(rel_im_hbm.at[ridx], rim, sem),
        ]
        for cp in copies:
            cp.wait()

        def row_body(i, a):
            h0 = hre[i, pl.ds(0, _L)]
            h1 = hre[i, pl.ds(_L, _L)]
            m0 = him[i, pl.ds(0, _L)]
            m1 = him[i, pl.ds(_L, _L)]
            r0 = rre[i, pl.ds(0, _L)]
            r1 = rre[i, pl.ds(_L, _L)]
            s0 = rim[i, pl.ds(0, _L)]
            s1 = rim[i, pl.ds(_L, _L)]
            p0 = trep[i, pl.ds(0, _L)]
            p1 = trep[i, pl.ds(_L, _L)]
            q0 = timp[i, pl.ds(0, _L)]
            q1 = timp[i, pl.ds(_L, _L)]
            u0 = tren[i, pl.ds(0, _L)]
            u1 = tren[i, pl.ds(_L, _L)]
            v0 = timn[i, pl.ds(0, _L)]
            v1 = timn[i, pl.ds(_L, _L)]
            a0 = h0 * r0 - m0 * s0
            a1 = h1 * r1 - m1 * s1
            b0 = m0 * r0 + h0 * s0
            b1 = m1 * r1 + h1 * s1
            d0 = a0 * (u0 - p0) + b0 * (v0 - q0)
            d1 = a1 * (u1 - p1) + b1 * (v1 - q1)
            dbuf[i, :] = d0 + d1
            sq = (h0 * h0 + h1 * h1 + m0 * m0 + m1 * m1
                  + p0 * p0 + p1 * p1 + q0 * q0 + q1 * q1
                  + u0 * u0 + u1 * u1 + v0 * v0 + v1 * v1
                  + r0 * r0 + r1 * r1 + s0 * s0 + s1 * s1)
            return a + sq

        acc = lax.fori_loop(0, _CHUNK, row_body, acc)
        pltpu.sync_copy(dbuf, ddiff_hbm.at[pl.ds(base, _CHUNK)])
    sqbuf[...] = acc
    pltpu.sync_copy(sqbuf, sq_hbm.at[wid])


_sc_kernel = functools.partial(
    pl.kernel,
    out_type=[
        jax.ShapeDtypeStruct((_BATCH, _L), jnp.float32),
        jax.ShapeDtypeStruct((_NW, _L), jnp.float32),
    ],
    mesh=plsc.VectorSubcoreMesh(core_axis_name="c", subcore_axis_name="s"),
    compiler_params=pltpu.CompilerParams(use_tc_tiling_on_sc=False),
    scratch_types=[
        pltpu.VMEM((_CHUNK,), jnp.int32),
        pltpu.VMEM((_CHUNK,), jnp.int32),
        pltpu.VMEM((_CHUNK,), jnp.int32),
        pltpu.VMEM((_CHUNK,), jnp.int32),
    ] + [pltpu.VMEM((_CHUNK, _D), jnp.float32) for _ in range(8)] + [
        pltpu.VMEM((_CHUNK, _L), jnp.float32),
        pltpu.VMEM((_L,), jnp.float32),
        pltpu.SemaphoreType.DMA,
    ],
)(_sc_body)


def _tc_body(dd_ref, sq_ref, out_ref):
    x = dd_ref[...]
    rs = jnp.sum(x, axis=1, keepdims=True)
    t = jnp.maximum(-rs, 0.0) + jnp.log1p(jnp.exp(-jnp.abs(rs)))
    l2 = jnp.sum(sq_ref[...])
    out_ref[0, 0] = jnp.sum(t) * (1.0 / _BATCH) + l2 * (_LAMBDA / (2.0 * _BATCH))


def kernel(h, r, pos_t, neg_t, ent_re, ent_im, rel_re, rel_im):
    ddiff, sq = _sc_kernel(h, r, pos_t, neg_t,
                           ent_re, ent_im,
                           rel_re, rel_im)
    loss = pl.pallas_call(
        _tc_body,
        out_shape=jax.ShapeDtypeStruct((1, 1), jnp.float32),
        out_specs=pl.BlockSpec(memory_space=pltpu.SMEM),
    )(ddiff, sq)
    return loss[0, 0]

# --- scband reference (transcript-rebuilt; emitter-appended) ---
"""Pipeline reference for scband-compl-ex-11304353923485 (READ-ONLY COPY).

The authoritative reference and input builder live on the scoring server;
editing this copy changes nothing except your own understanding.
"""

import jax, jax.numpy as jnp
import numpy as np

N_ENT = 1000000
N_REL = 1000
EMBED_DIM = 32
REL_DIM = 32
BATCH = 16384
KG_L2_LAMBDA = 1e-05


def _xavier_uniform(key, shape):
    fan_in, fan_out = shape[0], shape[1]
    limit = np.sqrt(6.0 / (fan_in + fan_out))
    return jax.random.uniform(key, shape, dtype=jnp.float32, minval=-limit, maxval=limit)


def _l2_loss_mean(x):
    return jnp.mean(jnp.sum(jnp.power(x, 2), axis=1) / 2.0)


def setup_inputs(seed: int = 0):
    key = jax.random.key(seed)
    ks = jax.random.split(key, 8)
    h = jax.random.randint(ks[0], (BATCH,), 0, N_ENT, dtype=jnp.int64 if jax.config.jax_enable_x64 else jnp.int32).astype(jnp.int32)
    r = jax.random.randint(ks[1], (BATCH,), 0, N_REL).astype(jnp.int32)
    pos_t = jax.random.randint(ks[2], (BATCH,), 0, N_ENT).astype(jnp.int32)
    neg_t = jax.random.randint(ks[3], (BATCH,), 0, N_ENT).astype(jnp.int32)
    ent_re = _xavier_uniform(ks[4], (N_ENT, EMBED_DIM))
    ent_im = _xavier_uniform(ks[5], (N_ENT, EMBED_DIM))
    rel_re = _xavier_uniform(ks[6], (N_REL, REL_DIM))
    rel_im = _xavier_uniform(ks[7], (N_REL, REL_DIM))
    return {"h": h, "r": r, "pos_t": pos_t, "neg_t": neg_t,
            "ent_re": ent_re, "ent_im": ent_im, "rel_re": rel_re, "rel_im": rel_im}


def _calculate_score(h_re, h_im, t_re, t_im, r_re, r_im):
    return jnp.sum(h_re * t_re * r_re + h_im * t_im * r_re + h_re * t_im * r_im - h_im * t_re * r_im, axis=-1)


def reference(h, r, pos_t, neg_t, ent_re, ent_im, rel_re, rel_im):
    r_re_embed = jnp.take(rel_re, r, axis=0)
    r_im_embed = jnp.take(rel_im, r, axis=0)
    head_re_embed = jnp.take(ent_re, h, axis=0)
    head_im_embed = jnp.take(ent_im, h, axis=0)
    tail_re_pos = jnp.take(ent_re, pos_t, axis=0)
    tail_im_pos = jnp.take(ent_im, pos_t, axis=0)
    tail_re_neg = jnp.take(ent_re, neg_t, axis=0)
    tail_im_neg = jnp.take(ent_im, neg_t, axis=0)
    pos_score = _calculate_score(head_re_embed, head_im_embed, tail_re_pos, tail_im_pos, r_re_embed, r_im_embed)
    neg_score = _calculate_score(head_re_embed, head_im_embed, tail_re_neg, tail_im_neg, r_re_embed, r_im_embed)
    triplet_loss = jnp.mean(-1.0 * jax.nn.log_sigmoid(neg_score - pos_score))
    l2_loss = (_l2_loss_mean(head_re_embed) + _l2_loss_mean(head_im_embed)
               + _l2_loss_mean(tail_re_pos) + _l2_loss_mean(tail_im_pos)
               + _l2_loss_mean(tail_re_neg) + _l2_loss_mean(tail_im_neg)
               + _l2_loss_mean(r_re_embed) + _l2_loss_mean(r_im_embed))
    loss = triplet_loss + KG_L2_LAMBDA * l2_loss
    return loss

if __name__ == "__main__":
    import jax
    _d = setup_inputs()
    print(jax.jit(kernel)(*tuple(_d.values())))

</pallas_src>

<mosaic_0001>
#map = affine_map<(d0, d1) -> (0)>
#map1 = affine_map<(d0, d1) -> (0, 0)>
module attributes {stable_mosaic.version = 14 : i64} {
  func.func @_sc_body(%arg0: i32, %arg1: i32, %arg2: memref<16384xi32, #tpu.memory_space<hbm>>, %arg3: memref<16384xi32, #tpu.memory_space<hbm>>, %arg4: memref<16384xi32, #tpu.memory_space<hbm>>, %arg5: memref<16384xi32, #tpu.memory_space<hbm>>, %arg6: memref<1000000x32xf32, #tpu.memory_space<hbm>>, %arg7: memref<1000000x32xf32, #tpu.memory_space<hbm>>, %arg8: memref<1000x32xf32, #tpu.memory_space<hbm>>, %arg9: memref<1000x32xf32, #tpu.memory_space<hbm>>, %arg10: memref<16384x16xf32, #tpu.memory_space<hbm>>, %arg11: memref<32x16xf32, #tpu.memory_space<hbm>>, %arg12: memref<128xi32, #tpu.memory_space<vmem>>, %arg13: memref<128xi32, #tpu.memory_space<vmem>>, %arg14: memref<128xi32, #tpu.memory_space<vmem>>, %arg15: memref<128xi32, #tpu.memory_space<vmem>>, %arg16: memref<128x32xf32, #tpu.memory_space<vmem>>, %arg17: memref<128x32xf32, #tpu.memory_space<vmem>>, %arg18: memref<128x32xf32, #tpu.memory_space<vmem>>, %arg19: memref<128x32xf32, #tpu.memory_space<vmem>>, %arg20: memref<128x32xf32, #tpu.memory_space<vmem>>, %arg21: memref<128x32xf32, #tpu.memory_space<vmem>>, %arg22: memref<128x32xf32, #tpu.memory_space<vmem>>, %arg23: memref<128x32xf32, #tpu.memory_space<vmem>>, %arg24: memref<128x16xf32, #tpu.memory_space<vmem>>, %arg25: memref<16xf32, #tpu.memory_space<vmem>>, %arg26: memref<!tpu.dma_semaphore, #tpu.memory_space<semaphore_mem>>) attributes {dimension_semantics = [#tpu.dimension_semantics<core_parallel>, #tpu.dimension_semantics<subcore_parallel>], iteration_bounds = array<i64: 2, 16>, scalar_prefetch = 0 : i64, scratch_operands = 15 : i64, tpu.core_type = #tpu.core_type<sc_vector_subcore>, window_params = [{transform_indices = #map}, {transform_indices = #map}, {transform_indices = #map}, {transform_indices = #map}, {transform_indices = #map1}, {transform_indices = #map1}, {transform_indices = #map1}, {transform_indices = #map1}, {transform_indices = #map1}, {transform_indices = #map1}]} {
    %mul3A = arith.constant 2 : i32
    %mul3A_0 = arith.muli %arg1, %mul3A : i32
    %add3A = arith.addi %mul3A_0, %arg0 : i32
    %broadcast_in_dim3A = arith.constant 0.000000e+00 : f32
    %broadcast_in_dim3A_1 = vector.broadcast %broadcast_in_dim3A : f32 to vector<16xf32>
    %mul3A_2 = arith.constant 512 : i32
    %mul3A_3 = arith.muli %add3A, %mul3A_2 : i32
    %add3A_4 = arith.constant 0 : i32
    %add3A_5 = arith.addi %mul3A_3, %add3A_4 : i32
    "tpu.region"() ({
      %run_scoped3A = tpu.sem_alloc : memref<!tpu.dma_semaphore, #tpu.memory_space<semaphore_mem>>
      %dma_start3A_234 = tpu.memref_slice %arg2[%add3A_5] : memref<16384xi32, #tpu.memory_space<hbm>> -> memref<128xi32, #tpu.memory_space<hbm>>
      %dma_start3A_235 = tpu.memref_slice %arg2[%add3A_5] : memref<16384xi32, #tpu.memory_space<hbm>> -> memref<128xi32, #tpu.memory_space<hbm>>
      tpu.enqueue_dma source(%dma_start3A_235 : memref<128xi32, #tpu.memory_space<hbm>>) target(%arg12 : memref<128xi32, #tpu.memory_space<vmem>>) target_semaphore(%run_scoped3A : memref<!tpu.dma_semaphore, #tpu.memory_space<semaphore_mem>>)
      %dma_wait3A_236 = tpu.memref_slice %arg2[%add3A_5] : memref<16384xi32, #tpu.memory_space<hbm>> -> memref<128xi32, #tpu.memory_space<hbm>>
      %dma_wait3A_237 = tpu.memref_slice %arg2[%add3A_5] : memref<16384xi32, #tpu.memory_space<hbm>> -> memref<128xi32, #tpu.memory_space<hbm>>
      tpu.wait_dma2 semaphore(%run_scoped3A : memref<!tpu.dma_semaphore, #tpu.memory_space<semaphore_mem>>) src(%dma_wait3A_237 : memref<128xi32, #tpu.memory_space<hbm>>) dst(%arg12 : memref<128xi32, #tpu.memory_space<vmem>>)
      tpu.yield
    }) : () -> ()
    "tpu.region"() ({
      %run_scoped3A = tpu.sem_alloc : memref<!tpu.dma_semaphore, #tpu.memory_space<semaphore_mem>>
      %dma_start3A_234 = tpu.memref_slice %arg3[%add3A_5] : memref<16384xi32, #tpu.memory_space<hbm>> -> memref<128xi32, #tpu.memory_space<hbm>>
      %dma_start3A_235 = tpu.memref_slice %arg3[%add3A_5] : memref<16384xi32, #tpu.memory_space<hbm>> -> memref<128xi32, #tpu.memory_space<hbm>>
      tpu.enqueue_dma source(%dma_start3A_235 : memref<128xi32, #tpu.memory_space<hbm>>) target(%arg13 : memref<128xi32, #tpu.memory_space<vmem>>) target_semaphore(%run_scoped3A : memref<!tpu.dma_semaphore, #tpu.memory_space<semaphore_mem>>)
      %dma_wait3A_236 = tpu.memref_slice %arg3[%add3A_5] : memref<16384xi32, #tpu.memory_space<hbm>> -> memref<128xi32, #tpu.memory_space<hbm>>
      %dma_wait3A_237 = tpu.memref_slice %arg3[%add3A_5] : memref<16384xi32, #tpu.memory_space<hbm>> -> memref<128xi32, #tpu.memory_space<hbm>>
      tpu.wait_dma2 semaphore(%run_scoped3A : memref<!tpu.dma_semaphore, #tpu.memory_space<semaphore_mem>>) src(%dma_wait3A_237 : memref<128xi32, #tpu.memory_space<hbm>>) dst(%arg13 : memref<128xi32, #tpu.memory_space<vmem>>)
      tpu.yield
    }) : () -> ()
    "tpu.region"() ({
      %run_scoped3A = tpu.sem_alloc : memref<!tpu.dma_semaphore, #tpu.memory_space<semaphore_mem>>
      %dma_start3A_234 = tpu.memref_slice %arg4[%add3A_5] : memref<16384xi32, #tpu.memory_space<hbm>> -> memref<128xi32, #tpu.memory_space<hbm>>
      %dma_start3A_235 = tpu.memref_slice %arg4[%add3A_5] : memref<16384xi32, #tpu.memory_space<hbm>> -> memref<128xi32, #tpu.memory_space<hbm>>
      tpu.enqueue_dma source(%dma_start3A_235 : memref<128xi32, #tpu.memory_space<hbm>>) target(%arg14 : memref<128xi32, #tpu.memory_space<vmem>>) target_semaphore(%run_scoped3A : memref<!tpu.dma_semaphore, #tpu.memory_space<semaphore_mem>>)
      %dma_wait3A_236 = tpu.memref_slice %arg4[%add3A_5] : memref<16384xi32, #tpu.memory_space<hbm>> -> memref<128xi32, #tpu.memory_space<hbm>>
      %dma_wait3A_237 = tpu.memref_slice %arg4[%add3A_5] : memref<16384xi32, #tpu.memory_space<hbm>> -> memref<128xi32, #tpu.memory_space<hbm>>
      tpu.wait_dma2 semaphore(%run_scoped3A : memref<!tpu.dma_semaphore, #tpu.memory_space<semaphore_mem>>) src(%dma_wait3A_237 : memref<128xi32, #tpu.memory_space<hbm>>) dst(%arg14 : memref<128xi32, #tpu.memory_space<vmem>>)
      tpu.yield
    }) : () -> ()
    "tpu.region"() ({
      %run_scoped3A = tpu.sem_alloc : memref<!tpu.dma_semaphore, #tpu.memory_space<semaphore_mem>>
      %dma_start3A_234 = tpu.memref_slice %arg5[%add3A_5] : memref<16384xi32, #tpu.memory_space<hbm>> -> memref<128xi32, #tpu.memory_space<hbm>>
      %dma_start3A_235 = tpu.memref_slice %arg5[%add3A_5] : memref<16384xi32, #tpu.memory_space<hbm>> -> memref<128xi32, #tpu.memory_space<hbm>>
      tpu.enqueue_dma source(%dma_start3A_235 : memref<128xi32, #tpu.memory_space<hbm>>) target(%arg15 : memref<128xi32, #tpu.memory_space<vmem>>) target_semaphore(%run_scoped3A : memref<!tpu.dma_semaphore, #tpu.memory_space<semaphore_mem>>)
      %dma_wait3A_236 = tpu.memref_slice %arg5[%add3A_5] : memref<16384xi32, #tpu.memory_space<hbm>> -> memref<128xi32, #tpu.memory_space<hbm>>
      %dma_wait3A_237 = tpu.memref_slice %arg5[%add3A_5] : memref<16384xi32, #tpu.memory_space<hbm>> -> memref<128xi32, #tpu.memory_space<hbm>>
      tpu.wait_dma2 semaphore(%run_scoped3A : memref<!tpu.dma_semaphore, #tpu.memory_space<semaphore_mem>>) src(%dma_wait3A_237 : memref<128xi32, #tpu.memory_space<hbm>>) dst(%arg15 : memref<128xi32, #tpu.memory_space<vmem>>)
      tpu.yield
    }) : () -> ()
    %dma_start3A = arith.constant 0 : i32
    %dma_start3A_6 = arith.constant 0 : i32
    %dma_start3A_7 = tpu.memref_slice %arg6[%dma_start3A, %dma_start3A_6] : memref<1000000x32xf32, #tpu.memory_space<hbm>> -> memref<1000000x32xf32, #tpu.memory_space<hbm>>
    tpu.enqueue_indirect_dma source(%dma_start3A_7 : memref<1000000x32xf32, #tpu.memory_space<hbm>>) target(%arg16 : memref<128x32xf32, #tpu.memory_space<vmem>>) offsets(%arg12 : memref<128xi32, #tpu.memory_space<vmem>>) semaphore(%arg26 : memref<!tpu.dma_semaphore, #tpu.memory_space<semaphore_mem>>)
    %dma_start3A_8 = arith.constant 0 : i32
    %dma_start3A_9 = arith.constant 0 : i32
    %dma_start3A_10 = tpu.memref_slice %arg7[%dma_start3A_8, %dma_start3A_9] : memref<1000000x32xf32, #tpu.memory_space<hbm>> -> memref<1000000x32xf32, #tpu.memory_space<hbm>>
    tpu.enqueue_indirect_dma source(%dma_start3A_10 : memref<1000000x32xf32, #tpu.memory_space<hbm>>) target(%arg17 : memref<128x32xf32, #tpu.memory_space<vmem>>) offsets(%arg12 : memref<128xi32, #tpu.memory_space<vmem>>) semaphore(%arg26 : memref<!tpu.dma_semaphore, #tpu.memory_space<semaphore_mem>>)
    %dma_start3A_11 = arith.constant 0 : i32
    %dma_start3A_12 = arith.constant 0 : i32
    %dma_start3A_13 = tpu.memref_slice %arg6[%dma_start3A_11, %dma_start3A_12] : memref<1000000x32xf32, #tpu.memory_space<hbm>> -> memref<1000000x32xf32, #tpu.memory_space<hbm>>
    tpu.enqueue_indirect_dma source(%dma_start3A_13 : memref<1000000x32xf32, #tpu.memory_space<hbm>>) target(%arg18 : memref<128x32xf32, #tpu.memory_space<vmem>>) offsets(%arg14 : memref<128xi32, #tpu.memory_space<vmem>>) semaphore(%arg26 : memref<!tpu.dma_semaphore, #tpu.memory_space<semaphore_mem>>)
    %dma_start3A_14 = arith.constant 0 : i32
    %dma_start3A_15 = arith.constant 0 : i32
    %dma_start3A_16 = tpu.memref_slice %arg7[%dma_start3A_14, %dma_start3A_15] : memref<1000000x32xf32, #tpu.memory_space<hbm>> -> memref<1000000x32xf32, #tpu.memory_space<hbm>>
    tpu.enqueue_indirect_dma source(%dma_start3A_16 : memref<1000000x32xf32, #tpu.memory_space<hbm>>) target(%arg19 : memref<128x32xf32, #tpu.memory_space<vmem>>) offsets(%arg14 : memref<128xi32, #tpu.memory_space<vmem>>) semaphore(%arg26 : memref<!tpu.dma_semaphore, #tpu.memory_space<semaphore_mem>>)
    %dma_start3A_17 = arith.constant 0 : i32
    %dma_start3A_18 = arith.constant 0 : i32
    %dma_start3A_19 = tpu.memref_slice %arg6[%dma_start3A_17, %dma_start3A_18] : memref<1000000x32xf32, #tpu.memory_space<hbm>> -> memref<1000000x32xf32, #tpu.memory_space<hbm>>
    tpu.enqueue_indirect_dma source(%dma_start3A_19 : memref<1000000x32xf32, #tpu.memory_space<hbm>>) target(%arg20 : memref<128x32xf32, #tpu.memory_space<vmem>>) offsets(%arg15 : memref<128xi32, #tpu.memory_space<vmem>>) semaphore(%arg26 : memref<!tpu.dma_semaphore, #tpu.memory_space<semaphore_mem>>)
    %dma_start3A_20 = arith.constant 0 : i32
    %dma_start3A_21 = arith.constant 0 : i32
    %dma_start3A_22 = tpu.memref_slice %arg7[%dma_start3A_20, %dma_start3A_21] : memref<1000000x32xf32, #tpu.memory_space<hbm>> -> memref<1000000x32xf32, #tpu.memory_space<hbm>>
    tpu.enqueue_indirect_dma source(%dma_start3A_22 : memref<1000000x32xf32, #tpu.memory_space<hbm>>) target(%arg21 : memref<128x32xf32, #tpu.memory_space<vmem>>) offsets(%arg15 : memref<128xi32, #tpu.memory_space<vmem>>) semaphore(%arg26 : memref<!tpu.dma_semaphore, #tpu.memory_space<semaphore_mem>>)
    %dma_start3A_23 = arith.constant 0 : i32
    %dma_start3A_24 = arith.constant 0 : i32
    %dma_start3A_25 = tpu.memref_slice %arg8[%dma_start3A_23, %dma_start3A_24] : memref<1000x32xf32, #tpu.memory_space<hbm>> -> memref<1000x32xf32, #tpu.memory_space<hbm>>
    tpu.enqueue_indirect_dma source(%dma_start3A_25 : memref<1000x32xf32, #tpu.memory_space<hbm>>) target(%arg22 : memref<128x32xf32, #tpu.memory_space<vmem>>) offsets(%arg13 : memref<128xi32, #tpu.memory_space<vmem>>) semaphore(%arg26 : memref<!tpu.dma_semaphore, #tpu.memory_space<semaphore_mem>>)
    %dma_start3A_26 = arith.constant 0 : i32
    %dma_start3A_27 = arith.constant 0 : i32
    %dma_start3A_28 = tpu.memref_slice %arg9[%dma_start3A_26, %dma_start3A_27] : memref<1000x32xf32, #tpu.memory_space<hbm>> -> memref<1000x32xf32, #tpu.memory_space<hbm>>
    tpu.enqueue_indirect_dma source(%dma_start3A_28 : memref<1000x32xf32, #tpu.memory_space<hbm>>) target(%arg23 : memref<128x32xf32, #tpu.memory_space<vmem>>) offsets(%arg13 : memref<128xi32, #tpu.memory_space<vmem>>) semaphore(%arg26 : memref<!tpu.dma_semaphore, #tpu.memory_space<semaphore_mem>>)
    %dma_wait3A = arith.constant 0 : i32
    %dma_wait3A_29 = arith.constant 0 : i32
    %dma_wait3A_30 = tpu.memref_slice %arg6[%dma_wait3A, %dma_wait3A_29] : memref<1000000x32xf32, #tpu.memory_space<hbm>> -> memref<1000000x32xf32, #tpu.memory_space<hbm>>
    tpu.wait_indirect_dma semaphore(%arg26 : memref<!tpu.dma_semaphore, #tpu.memory_space<semaphore_mem>>) src(%dma_wait3A_30 : memref<1000000x32xf32, #tpu.memory_space<hbm>>) dst(%arg16 : memref<128x32xf32, #tpu.memory_space<vmem>>)
    %dma_wait3A_31 = arith.constant 0 : i32
    %dma_wait3A_32 = arith.constant 0 : i32
    %dma_wait3A_33 = tpu.memref_slice %arg7[%dma_wait3A_31, %dma_wait3A_32] : memref<1000000x32xf32, #tpu.memory_space<hbm>> -> memref<1000000x32xf32, #tpu.memory_space<hbm>>
    tpu.wait_indirect_dma semaphore(%arg26 : memref<!tpu.dma_semaphore, #tpu.memory_space<semaphore_mem>>) src(%dma_wait3A_33 : memref<1000000x32xf32, #tpu.memory_space<hbm>>) dst(%arg17 : memref<128x32xf32, #tpu.memory_space<vmem>>)
    %dma_wait3A_34 = arith.constant 0 : i32
    %dma_wait3A_35 = arith.constant 0 : i32
    %dma_wait3A_36 = tpu.memref_slice %arg6[%dma_wait3A_34, %dma_wait3A_35] : memref<1000000x32xf32, #tpu.memory_space<hbm>> -> memref<1000000x32xf32, #tpu.memory_space<hbm>>
    tpu.wait_indirect_dma semaphore(%arg26 : memref<!tpu.dma_semaphore, #tpu.memory_space<semaphore_mem>>) src(%dma_wait3A_36 : memref<1000000x32xf32, #tpu.memory_space<hbm>>) dst(%arg18 : memref<128x32xf32, #tpu.memory_space<vmem>>)
    %dma_wait3A_37 = arith.constant 0 : i32
    %dma_wait3A_38 = arith.constant 0 : i32
    %dma_wait3A_39 = tpu.memref_slice %arg7[%dma_wait3A_37, %dma_wait3A_38] : memref<1000000x32xf32, #tpu.memory_space<hbm>> -> memref<1000000x32xf32, #tpu.memory_space<hbm>>
    tpu.wait_indirect_dma semaphore(%arg26 : memref<!tpu.dma_semaphore, #tpu.memory_space<semaphore_mem>>) src(%dma_wait3A_39 : memref<1000000x32xf32, #tpu.memory_space<hbm>>) dst(%arg19 : memref<128x32xf32, #tpu.memory_space<vmem>>)
    %dma_wait3A_40 = arith.constant 0 : i32
    %dma_wait3A_41 = arith.constant 0 : i32
    %dma_wait3A_42 = tpu.memref_slice %arg6[%dma_wait3A_40, %dma_wait3A_41] : memref<1000000x32xf32, #tpu.memory_space<hbm>> -> memref<1000000x32xf32, #tpu.memory_space<hbm>>
    tpu.wait_indirect_dma semaphore(%arg26 : memref<!tpu.dma_semaphore, #tpu.memory_space<semaphore_mem>>) src(%dma_wait3A_42 : memref<1000000x32xf32, #tpu.memory_space<hbm>>) dst(%arg20 : memref<128x32xf32, #tpu.memory_space<vmem>>)
    %dma_wait3A_43 = arith.constant 0 : i32
    %dma_wait3A_44 = arith.constant 0 : i32
    %dma_wait3A_45 = tpu.memref_slice %arg7[%dma_wait3A_43, %dma_wait3A_44] : memref<1000000x32xf32, #tpu.memory_space<hbm>> -> memref<1000000x32xf32, #tpu.memory_space<hbm>>
    tpu.wait_indirect_dma semaphore(%arg26 : memref<!tpu.dma_semaphore, #tpu.memory_space<semaphore_mem>>) src(%dma_wait3A_45 : memref<1000000x32xf32, #tpu.memory_space<hbm>>) dst(%arg21 : memref<128x32xf32, #tpu.memory_space<vmem>>)
    %dma_wait3A_46 = arith.constant 0 : i32
    %dma_wait3A_47 = arith.constant 0 : i32
    %dma_wait3A_48 = tpu.memref_slice %arg8[%dma_wait3A_46, %dma_wait3A_47] : memref<1000x32xf32, #tpu.memory_space<hbm>> -> memref<1000x32xf32, #tpu.memory_space<hbm>>
    tpu.wait_indirect_dma semaphore(%arg26 : memref<!tpu.dma_semaphore, #tpu.memory_space<semaphore_mem>>) src(%dma_wait3A_48 : memref<1000x32xf32, #tpu.memory_space<hbm>>) dst(%arg22 : memref<128x32xf32, #tpu.memory_space<vmem>>)
    %dma_wait3A_49 = arith.constant 0 : i32
    %dma_wait3A_50 = arith.constant 0 : i32
    %dma_wait3A_51 = tpu.memref_slice %arg9[%dma_wait3A_49, %dma_wait3A_50] : memref<1000x32xf32, #tpu.memory_space<hbm>> -> memref<1000x32xf32, #tpu.memory_space<hbm>>
    tpu.wait_indirect_dma semaphore(%arg26 : memref<!tpu.dma_semaphore, #tpu.memory_space<semaphore_mem>>) src(%dma_wait3A_51 : memref<1000x32xf32, #tpu.memory_space<hbm>>) dst(%arg23 : memref<128x32xf32, #tpu.memory_space<vmem>>)
    %scan3A = arith.constant 0 : i32
    %scan3A_52 = arith.constant 128 : i32
    %scan3A_53 = arith.addi %scan3A, %scan3A_52 : i32
    %scan3A_54 = arith.constant 1 : i32
    %scan3A_55 = scf.for %scan3A_234 = %scan3A to %scan3A_53 step %scan3A_54 iter_args(%scan3A_235 = %broadcast_in_dim3A_1) -> (vector<16xf32>)  : i32 {
      %get3A = arith.index_cast %scan3A_234 : i32 to index
      %get3A_236 = arith.constant 0 : index
      %get3A_237 = tpu.vector_load %arg16[%get3A, %get3A_236] {strides = array<i32>} : memref<128x32xf32, #tpu.memory_space<vmem>>, vector<1x16xf32>,
      %get3A_238 = vector.shape_cast %get3A_237 : vector<1x16xf32> to vector<16xf32>
      %get3A_239 = arith.index_cast %scan3A_234 : i32 to index
      %get3A_240 = arith.constant 16 : index
      %get3A_241 = tpu.vector_load %arg16[%get3A_239, %get3A_240] {strides = array<i32>} : memref<128x32xf32, #tpu.memory_space<vmem>>, vector<1x16xf32>,
      %get3A_242 = vector.shape_cast %get3A_241 : vector<1x16xf32> to vector<16xf32>
      %get3A_243 = arith.index_cast %scan3A_234 : i32 to index
      %get3A_244 = arith.constant 0 : index
      %get3A_245 = tpu.vector_load %arg17[%get3A_243, %get3A_244] {strides = array<i32>} : memref<128x32xf32, #tpu.memory_space<vmem>>, vector<1x16xf32>,
      %get3A_246 = vector.shape_cast %get3A_245 : vector<1x16xf32> to vector<16xf32>
      %get3A_247 = arith.index_cast %scan3A_234 : i32 to index
      %get3A_248 = arith.constant 16 : index
      %get3A_249 = tpu.vector_load %arg17[%get3A_247, %get3A_248] {strides = array<i32>} : memref<128x32xf32, #tpu.memory_space<vmem>>, vector<1x16xf32>,
      %get3A_250 = vector.shape_cast %get3A_249 : vector<1x16xf32> to vector<16xf32>
      %get3A_251 = arith.index_cast %scan3A_234 : i32 to index
      %get3A_252 = arith.constant 0 : index
      %get3A_253 = tpu.vector_load %arg22[%get3A_251, %get3A_252] {strides = array<i32>} : memref<128x32xf32, #tpu.memory_space<vmem>>, vector<1x16xf32>,
      %get3A_254 = vector.shape_cast %get3A_253 : vector<1x16xf32> to vector<16xf32>
      %get3A_255 = arith.index_cast %scan3A_234 : i32 to index
      %get3A_256 = arith.constant 16 : index
      %get3A_257 = tpu.vector_load %arg22[%get3A_255, %get3A_256] {strides = array<i32>} : memref<128x32xf32, #tpu.memory_space<vmem>>, vector<1x16xf32>,
      %get3A_258 = vector.shape_cast %get3A_257 : vector<1x16xf32> to vector<16xf32>
      %get3A_259 = arith.index_cast %scan3A_234 : i32 to index
      %get3A_260 = arith.constant 0 : index
      %get3A_261 = tpu.vector_load %arg23[%get3A_259, %get3A_260] {strides = array<i32>} : memref<128x32xf32, #tpu.memory_space<vmem>>, vector<1x16xf32>,
      %get3A_262 = vector.shape_cast %get3A_261 : vector<1x16xf32> to vector<16xf32>
      %get3A_263 = arith.index_cast %scan3A_234 : i32 to index
      %get3A_264 = arith.constant 16 : index
      %get3A_265 = tpu.vector_load %arg23[%get3A_263, %get3A_264] {strides = array<i32>} : memref<128x32xf32, #tpu.memory_space<vmem>>, vector<1x16xf32>,
      %get3A_266 = vector.shape_cast %get3A_265 : vector<1x16xf32> to vector<16xf32>
      %get3A_267 = arith.index_cast %scan3A_234 : i32 to index
      %get3A_268 = arith.constant 0 : index
      %get3A_269 = tpu.vector_load %arg18[%get3A_267, %get3A_268] {strides = array<i32>} : memref<128x32xf32, #tpu.memory_space<vmem>>, vector<1x16xf32>,
      %get3A_270 = vector.shape_cast %get3A_269 : vector<1x16xf32> to vector<16xf32>
      %get3A_271 = arith.index_cast %scan3A_234 : i32 to index
      %get3A_272 = arith.constant 16 : index
      %get3A_273 = tpu.vector_load %arg18[%get3A_271, %get3A_272] {strides = array<i32>} : memref<128x32xf32, #tpu.memory_space<vmem>>, vector<1x16xf32>,
      %get3A_274 = vector.shape_cast %get3A_273 : vector<1x16xf32> to vector<16xf32>
      %get3A_275 = arith.index_cast %scan3A_234 : i32 to index
      %get3A_276 = arith.constant 0 : index
      %get3A_277 = tpu.vector_load %arg19[%get3A_275, %get3A_276] {strides = array<i32>} : memref<128x32xf32, #tpu.memory_space<vmem>>, vector<1x16xf32>,
      %get3A_278 = vector.shape_cast %get3A_277 : vector<1x16xf32> to vector<16xf32>
      %get3A_279 = arith.index_cast %scan3A_234 : i32 to index
      %get3A_280 = arith.constant 16 : index
      %get3A_281 = tpu.vector_load %arg19[%get3A_279, %get3A_280] {strides = array<i32>} : memref<128x32xf32, #tpu.memory_space<vmem>>, vector<1x16xf32>,
      %get3A_282 = vector.shape_cast %get3A_281 : vector<1x16xf32> to vector<16xf32>
      %get3A_283 = arith.index_cast %scan3A_234 : i32 to index
      %get3A_284 = arith.constant 0 : index
      %get3A_285 = tpu.vector_load %arg20[%get3A_283, %get3A_284] {strides = array<i32>} : memref<128x32xf32, #tpu.memory_space<vmem>>, vector<1x16xf32>,
      %get3A_286 = vector.shape_cast %get3A_285 : vector<1x16xf32> to vector<16xf32>
      %get3A_287 = arith.index_cast %scan3A_234 : i32 to index
      %get3A_288 = arith.constant 16 : index
      %get3A_289 = tpu.vector_load %arg20[%get3A_287, %get3A_288] {strides = array<i32>} : memref<128x32xf32, #tpu.memory_space<vmem>>, vector<1x16xf32>,
      %get3A_290 = vector.shape_cast %get3A_289 : vector<1x16xf32> to vector<16xf32>
      %get3A_291 = arith.index_cast %scan3A_234 : i32 to index
      %get3A_292 = arith.constant 0 : index
      %get3A_293 = tpu.vector_load %arg21[%get3A_291, %get3A_292] {strides = array<i32>} : memref<128x32xf32, #tpu.memory_space<vmem>>, vector<1x16xf32>,
      %get3A_294 = vector.shape_cast %get3A_293 : vector<1x16xf32> to vector<16xf32>
      %get3A_295 = arith.index_cast %scan3A_234 : i32 to index
      %get3A_296 = arith.constant 16 : index
      %get3A_297 = tpu.vector_load %arg21[%get3A_295, %get3A_296] {strides = array<i32>} : memref<128x32xf32, #tpu.memory_space<vmem>>, vector<1x16xf32>,
      %get3A_298 = vector.shape_cast %get3A_297 : vector<1x16xf32> to vector<16xf32>
      %mul3A_299 = arith.mulf %get3A_238, %get3A_254 : vector<16xf32>
      %mul3A_300 = arith.mulf %get3A_246, %get3A_262 : vector<16xf32>
      %sub3A = arith.subf %mul3A_299, %mul3A_300 : vector<16xf32>
      %mul3A_301 = arith.mulf %get3A_242, %get3A_258 : vector<16xf32>
      %mul3A_302 = arith.mulf %get3A_250, %get3A_266 : vector<16xf32>
      %sub3A_303 = arith.subf %mul3A_301, %mul3A_302 : vector<16xf32>
      %mul3A_304 = arith.mulf %get3A_246, %get3A_254 : vector<16xf32>
      %mul3A_305 = arith.mulf %get3A_238, %get3A_262 : vector<16xf32>
      %add3A_306 = arith.addf %mul3A_304, %mul3A_305 : vector<16xf32>
      %mul3A_307 = arith.mulf %get3A_250, %get3A_258 : vector<16xf32>
      %mul3A_308 = arith.mulf %get3A_242, %get3A_266 : vector<16xf32>
      %add3A_309 = arith.addf %mul3A_307, %mul3A_308 : vector<16xf32>
      %sub3A_310 = arith.subf %get3A_286, %get3A_270 : vector<16xf32>
      %mul3A_311 = arith.mulf %sub3A, %sub3A_310 : vector<16xf32>
      %sub3A_312 = arith.subf %get3A_294, %get3A_278 : vector<16xf32>
      %mul3A_313 = arith.mulf %add3A_306, %sub3A_312 : vector<16xf32>
      %add3A_314 = arith.addf %mul3A_311, %mul3A_313 : vector<16xf32>
      %sub3A_315 = arith.subf %get3A_290, %get3A_274 : vector<16xf32>
      %mul3A_316 = arith.mulf %sub3A_303, %sub3A_315 : vector<16xf32>
      %sub3A_317 = arith.subf %get3A_298, %get3A_282 : vector<16xf32>
      %mul3A_318 = arith.mulf %add3A_309, %sub3A_317 : vector<16xf32>
      %add3A_319 = arith.addf %mul3A_316, %mul3A_318 : vector<16xf32>
      %add3A_320 = arith.addf %add3A_314, %add3A_319 : vector<16xf32>
      %swap3A_321 = arith.index_cast %scan3A_234 : i32 to index
      %swap3A_322 = arith.constant 0 : index
      %swap3A_323 = tpu.vector_load %arg24[%swap3A_321, %swap3A_322] {strides = array<i32>} : memref<128x16xf32, #tpu.memory_space<vmem>>, vector<1x16xf32>,
      %swap3A_324 = vector.shape_cast %swap3A_323 : vector<1x16xf32> to vector<16xf32>
      %swap3A_325 = vector.shape_cast %add3A_320 : vector<16xf32> to vector<1x16xf32>
      tpu.vector_store %arg24[%swap3A_321, %swap3A_322], %swap3A_325 {strides = array<i32>} : memref<128x16xf32, #tpu.memory_space<vmem>>, vector<1x16xf32>,
      %mul3A_326 = arith.mulf %get3A_238, %get3A_238 : vector<16xf32>
      %mul3A_327 = arith.mulf %get3A_242, %get3A_242 : vector<16xf32>
      %add3A_328 = arith.addf %mul3A_326, %mul3A_327 : vector<16xf32>
      %mul3A_329 = arith.mulf %get3A_246, %get3A_246 : vector<16xf32>
      %add3A_330 = arith.addf %add3A_328, %mul3A_329 : vector<16xf32>
      %mul3A_331 = arith.mulf %get3A_250, %get3A_250 : vector<16xf32>
      %add3A_332 = arith.addf %add3A_330, %mul3A_331 : vector<16xf32>
      %mul3A_333 = arith.mulf %get3A_270, %get3A_270 : vector<16xf32>
      %add3A_334 = arith.addf %add3A_332, %mul3A_333 : vector<16xf32>
      %mul3A_335 = arith.mulf %get3A_274, %get3A_274 : vector<16xf32>
      %add3A_336 = arith.addf %add3A_334, %mul3A_335 : vector<16xf32>
      %mul3A_337 = arith.mulf %get3A_278, %get3A_278 : vector<16xf32>
      %add3A_338 = arith.addf %add3A_336, %mul3A_337 : vector<16xf32>
      %mul3A_339 = arith.mulf %get3A_282, %get3A_282 : vector<16xf32>
      %add3A_340 = arith.addf %add3A_338, %mul3A_339 : vector<16xf32>
      %mul3A_341 = arith.mulf %get3A_286, %get3A_286 : vector<16xf32>
      %add3A_342 = arith.addf %add3A_340, %mul3A_341 : vector<16xf32>
      %mul3A_343 = arith.mulf %get3A_290, %get3A_290 : vector<16xf32>
      %add3A_344 = arith.addf %add3A_342, %mul3A_343 : vector<16xf32>
      %mul3A_345 = arith.mulf %get3A_294, %get3A_294 : vector<16xf32>
      %add3A_346 = arith.addf %add3A_344, %mul3A_345 : vector<16xf32>
      %mul3A_347 = arith.mulf %get3A_298, %get3A_298 : vector<16xf32>
      %add3A_348 = arith.addf %add3A_346, %mul3A_347 : vector<16xf32>
      %mul3A_349 = arith.mulf %get3A_254, %get3A_254 : vector<16xf32>
      %add3A_350 = arith.addf %add3A_348, %mul3A_349 : vector<16xf32>
      %mul3A_351 = arith.mulf %get3A_258, %get3A_258 : vector<16xf32>
      %add3A_352 = arith.addf %add3A_350, %mul3A_351 : vector<16xf32>
      %mul3A_353 = arith.mulf %get3A_262, %get3A_262 : vector<16xf32>
      %add3A_354 = arith.addf %add3A_352, %mul3A_353 : vector<16xf32>
      %mul3A_355 = arith.mulf %get3A_266, %get3A_266 : vector<16xf32>
      %add3A_356 = arith.addf %add3A_354, %mul3A_355 : vector<16xf32>
      %add3A_357 = arith.addf %scan3A_235, %add3A_356 : vector<16xf32>
      scf.yield %add3A_357 : vector<16xf32>
    }
    %scan3A_56 = arith.constant 128 : i32
    "tpu.region"() ({
      %run_scoped3A = tpu.sem_alloc : memref<!tpu.dma_semaphore, #tpu.memory_space<semaphore_mem>>
      %dma_start3A_234 = arith.constant 0 : i32
      %dma_start3A_235 = tpu.memref_slice %arg10[%add3A_5, %dma_start3A_234] : memref<16384x16xf32, #tpu.memory_space<hbm>> -> memref<128x16xf32, #tpu.memory_space<hbm>>
      %dma_start3A_236 = arith.constant 0 : i32
      %dma_start3A_237 = tpu.memref_slice %arg10[%add3A_5, %dma_start3A_236] : memref<16384x16xf32, #tpu.memory_space<hbm>> -> memref<128x16xf32, #tpu.memory_space<hbm>>
      tpu.enqueue_dma source(%arg24 : memref<128x16xf32, #tpu.memory_space<vmem>>) target(%dma_start3A_237 : memref<128x16xf32, #tpu.memory_space<hbm>>) target_semaphore(%run_scoped3A : memref<!tpu.dma_semaphore, #tpu.memory_space<semaphore_mem>>)
      %dma_wait3A_238 = arith.constant 0 : i32
      %dma_wait3A_239 = tpu.memref_slice %arg10[%add3A_5, %dma_wait3A_238] : memref<16384x16xf32, #tpu.memory_space<hbm>> -> memref<128x16xf32, #tpu.memory_space<hbm>>
      %dma_wait3A_240 = arith.constant 0 : i32
      %dma_wait3A_241 = tpu.memref_slice %arg10[%add3A_5, %dma_wait3A_240] : memref<16384x16xf32, #tpu.memory_space<hbm>> -> memref<128x16xf32, #tpu.memory_space<hbm>>
      tpu.wait_dma2 semaphore(%run_scoped3A : memref<!tpu.dma_semaphore, #tpu.memory_space<semaphore_mem>>) src(%arg24 : memref<128x16xf32, #tpu.memory_space<vmem>>) dst(%dma_wait3A_241 : memref<128x16xf32, #tpu.memory_space<hbm>>)
      tpu.yield
    }) : () -> ()
    %mul3A_57 = arith.constant 512 : i32
    %mul3A_58 = arith.muli %add3A, %mul3A_57 : i32
    %add3A_59 = arith.constant 128 : i32
    %add3A_60 = arith.addi %mul3A_58, %add3A_59 : i32
    "tpu.region"() ({
      %run_scoped3A = tpu.sem_alloc : memref<!tpu.dma_semaphore, #tpu.memory_space<semaphore_mem>>
      %dma_start3A_234 = tpu.memref_slice %arg2[%add3A_60] : memref<16384xi32, #tpu.memory_space<hbm>> -> memref<128xi32, #tpu.memory_space<hbm>>
      %dma_start3A_235 = tpu.memref_slice %arg2[%add3A_60] : memref<16384xi32, #tpu.memory_space<hbm>> -> memref<128xi32, #tpu.memory_space<hbm>>
      tpu.enqueue_dma source(%dma_start3A_235 : memref<128xi32, #tpu.memory_space<hbm>>) target(%arg12 : memref<128xi32, #tpu.memory_space<vmem>>) target_semaphore(%run_scoped3A : memref<!tpu.dma_semaphore, #tpu.memory_space<semaphore_mem>>)
      %dma_wait3A_236 = tpu.memref_slice %arg2[%add3A_60] : memref<16384xi32, #tpu.memory_space<hbm>> -> memref<128xi32, #tpu.memory_space<hbm>>
      %dma_wait3A_237 = tpu.memref_slice %arg2[%add3A_60] : memref<16384xi32, #tpu.memory_space<hbm>> -> memref<128xi32, #tpu.memory_space<hbm>>
      tpu.wait_dma2 semaphore(%run_scoped3A : memref<!tpu.dma_semaphore, #tpu.memory_space<semaphore_mem>>) src(%dma_wait3A_237 : memref<128xi32, #tpu.memory_space<hbm>>) dst(%arg12 : memref<128xi32, #tpu.memory_space<vmem>>)
      tpu.yield
    }) : () -> ()
    "tpu.region"() ({
      %run_scoped3A = tpu.sem_alloc : memref<!tpu.dma_semaphore, #tpu.memory_space<semaphore_mem>>
      %dma_start3A_234 = tpu.memref_slice %arg3[%add3A_60] : memref<16384xi32, #tpu.memory_space<hbm>> -> memref<128xi32, #tpu.memory_space<hbm>>
      %dma_start3A_235 = tpu.memref_slice %arg3[%add3A_60] : memref<16384xi32, #tpu.memory_space<hbm>> -> memref<128xi32, #tpu.memory_space<hbm>>
      tpu.enqueue_dma source(%dma_start3A_235 : memref<128xi32, #tpu.memory_space<hbm>>) target(%arg13 : memref<128xi32, #tpu.memory_space<vmem>>) target_semaphore(%run_scoped3A : memref<!tpu.dma_semaphore, #tpu.memory_space<semaphore_mem>>)
      %dma_wait3A_236 = tpu.memref_slice %arg3[%add3A_60] : memref<16384xi32, #tpu.memory_space<hbm>> -> memref<128xi32, #tpu.memory_space<hbm>>
      %dma_wait3A_237 = tpu.memref_slice %arg3[%add3A_60] : memref<16384xi32, #tpu.memory_space<hbm>> -> memref<128xi32, #tpu.memory_space<hbm>>
      tpu.wait_dma2 semaphore(%run_scoped3A : memref<!tpu.dma_semaphore, #tpu.memory_space<semaphore_mem>>) src(%dma_wait3A_237 : memref<128xi32, #tpu.memory_space<hbm>>) dst(%arg13 : memref<128xi32, #tpu.memory_space<vmem>>)
      tpu.yield
    }) : () -> ()
    "tpu.region"() ({
      %run_scoped3A = tpu.sem_alloc : memref<!tpu.dma_semaphore, #tpu.memory_space<semaphore_mem>>
      %dma_start3A_234 = tpu.memref_slice %arg4[%add3A_60] : memref<16384xi32, #tpu.memory_space<hbm>> -> memref<128xi32, #tpu.memory_space<hbm>>
      %dma_start3A_235 = tpu.memref_slice %arg4[%add3A_60] : memref<16384xi32, #tpu.memory_space<hbm>> -> memref<128xi32, #tpu.memory_space<hbm>>
      tpu.enqueue_dma source(%dma_start3A_235 : memref<128xi32, #tpu.memory_space<hbm>>) target(%arg14 : memref<128xi32, #tpu.memory_space<vmem>>) target_semaphore(%run_scoped3A : memref<!tpu.dma_semaphore, #tpu.memory_space<semaphore_mem>>)
      %dma_wait3A_236 = tpu.memref_slice %arg4[%add3A_60] : memref<16384xi32, #tpu.memory_space<hbm>> -> memref<128xi32, #tpu.memory_space<hbm>>
      %dma_wait3A_237 = tpu.memref_slice %arg4[%add3A_60] : memref<16384xi32, #tpu.memory_space<hbm>> -> memref<128xi32, #tpu.memory_space<hbm>>
      tpu.wait_dma2 semaphore(%run_scoped3A : memref<!tpu.dma_semaphore, #tpu.memory_space<semaphore_mem>>) src(%dma_wait3A_237 : memref<128xi32, #tpu.memory_space<hbm>>) dst(%arg14 : memref<128xi32, #tpu.memory_space<vmem>>)
      tpu.yield
    }) : () -> ()
    "tpu.region"() ({
      %run_scoped3A = tpu.sem_alloc : memref<!tpu.dma_semaphore, #tpu.memory_space<semaphore_mem>>
      %dma_start3A_234 = tpu.memref_slice %arg5[%add3A_60] : memref<16384xi32, #tpu.memory_space<hbm>> -> memref<128xi32, #tpu.memory_space<hbm>>
      %dma_start3A_235 = tpu.memref_slice %arg5[%add3A_60] : memref<16384xi32, #tpu.memory_space<hbm>> -> memref<128xi32, #tpu.memory_space<hbm>>
      tpu.enqueue_dma source(%dma_start3A_235 : memref<128xi32, #tpu.memory_space<hbm>>) target(%arg15 : memref<128xi32, #tpu.memory_space<vmem>>) target_semaphore(%run_scoped3A : memref<!tpu.dma_semaphore, #tpu.memory_space<semaphore_mem>>)
      %dma_wait3A_236 = tpu.memref_slice %arg5[%add3A_60] : memref<16384xi32, #tpu.memory_space<hbm>> -> memref<128xi32, #tpu.memory_space<hbm>>
      %dma_wait3A_237 = tpu.memref_slice %arg5[%add3A_60] : memref<16384xi32, #tpu.memory_space<hbm>> -> memref<128xi32, #tpu.memory_space<hbm>>
      tpu.wait_dma2 semaphore(%run_scoped3A : memref<!tpu.dma_semaphore, #tpu.memory_space<semaphore_mem>>) src(%dma_wait3A_237 : memref<128xi32, #tpu.memory_space<hbm>>) dst(%arg15 : memref<128xi32, #tpu.memory_space<vmem>>)
      tpu.yield
    }) : () -> ()
    %dma_start3A_61 = arith.constant 0 : i32
    %dma_start3A_62 = arith.constant 0 : i32
    %dma_start3A_63 = tpu.memref_slice %arg6[%dma_start3A_61, %dma_start3A_62] : memref<1000000x32xf32, #tpu.memory_space<hbm>> -> memref<1000000x32xf32, #tpu.memory_space<hbm>>
    tpu.enqueue_indirect_dma source(%dma_start3A_63 : memref<1000000x32xf32, #tpu.memory_space<hbm>>) target(%arg16 : memref<128x32xf32, #tpu.memory_space<vmem>>) offsets(%arg12 : memref<128xi32, #tpu.memory_space<vmem>>) semaphore(%arg26 : memref<!tpu.dma_semaphore, #tpu.memory_space<semaphore_mem>>)
    %dma_start3A_64 = arith.constant 0 : i32
    %dma_start3A_65 = arith.constant 0 : i32
    %dma_start3A_66 = tpu.memref_slice %arg7[%dma_start3A_64, %dma_start3A_65] : memref<1000000x32xf32, #tpu.memory_space<hbm>> -> memref<1000000x32xf32, #tpu.memory_space<hbm>>
    tpu.enqueue_indirect_dma source(%dma_start3A_66 : memref<1000000x32xf32, #tpu.memory_space<hbm>>) target(%arg17 : memref<128x32xf32, #tpu.memory_space<vmem>>) offsets(%arg12 : memref<128xi32, #tpu.memory_space<vmem>>) semaphore(%arg26 : memref<!tpu.dma_semaphore, #tpu.memory_space<semaphore_mem>>)
    %dma_start3A_67 = arith.constant 0 : i32
    %dma_start3A_68 = arith.constant 0 : i32
    %dma_start3A_69 = tpu.memref_slice %arg6[%dma_start3A_67, %dma_start3A_68] : memref<1000000x32xf32, #tpu.memory_space<hbm>> -> memref<1000000x32xf32, #tpu.memory_space<hbm>>
    tpu.enqueue_indirect_dma source(%dma_start3A_69 : memref<1000000x32xf32, #tpu.memory_space<hbm>>) target(%arg18 : memref<128x32xf32, #tpu.memory_space<vmem>>) offsets(%arg14 : memref<128xi32, #tpu.memory_space<vmem>>) semaphore(%arg26 : memref<!tpu.dma_semaphore, #tpu.memory_space<semaphore_mem>>)
    %dma_start3A_70 = arith.constant 0 : i32
    %dma_start3A_71 = arith.constant 0 : i32
    %dma_start3A_72 = tpu.memref_slice %arg7[%dma_start3A_70, %dma_start3A_71] : memref<1000000x32xf32, #tpu.memory_space<hbm>> -> memref<1000000x32xf32, #tpu.memory_space<hbm>>
    tpu.enqueue_indirect_dma source(%dma_start3A_72 : memref<1000000x32xf32, #tpu.memory_space<hbm>>) target(%arg19 : memref<128x32xf32, #tpu.memory_space<vmem>>) offsets(%arg14 : memref<128xi32, #tpu.memory_space<vmem>>) semaphore(%arg26 : memref<!tpu.dma_semaphore, #tpu.memory_space<semaphore_mem>>)
    %dma_start3A_73 = arith.constant 0 : i32
    %dma_start3A_74 = arith.constant 0 : i32
    %dma_start3A_75 = tpu.memref_slice %arg6[%dma_start3A_73, %dma_start3A_74] : memref<1000000x32xf32, #tpu.memory_space<hbm>> -> memref<1000000x32xf32, #tpu.memory_space<hbm>>
    tpu.enqueue_indirect_dma source(%dma_start3A_75 : memref<1000000x32xf32, #tpu.memory_space<hbm>>) target(%arg20 : memref<128x32xf32, #tpu.memory_space<vmem>>) offsets(%arg15 : memref<128xi32, #tpu.memory_space<vmem>>) semaphore(%arg26 : memref<!tpu.dma_semaphore, #tpu.memory_space<semaphore_mem>>)
    %dma_start3A_76 = arith.constant 0 : i32
    %dma_start3A_77 = arith.constant 0 : i32
    %dma_start3A_78 = tpu.memref_slice %arg7[%dma_start3A_76, %dma_start3A_77] : memref<1000000x32xf32, #tpu.memory_space<hbm>> -> memref<1000000x32xf32, #tpu.memory_space<hbm>>
    tpu.enqueue_indirect_dma source(%dma_start3A_78 : memref<1000000x32xf32, #tpu.memory_space<hbm>>) target(%arg21 : memref<128x32xf32, #tpu.memory_space<vmem>>) offsets(%arg15 : memref<128xi32, #tpu.memory_space<vmem>>) semaphore(%arg26 : memref<!tpu.dma_semaphore, #tpu.memory_space<semaphore_mem>>)
    %dma_start3A_79 = arith.constant 0 : i32
    %dma_start3A_80 = arith.constant 0 : i32
    %dma_start3A_81 = tpu.memref_slice %arg8[%dma_start3A_79, %dma_start3A_80] : memref<1000x32xf32, #tpu.memory_space<hbm>> -> memref<1000x32xf32, #tpu.memory_space<hbm>>
    tpu.enqueue_indirect_dma source(%dma_start3A_81 : memref<1000x32xf32, #tpu.memory_space<hbm>>) target(%arg22 : memref<128x32xf32, #tpu.memory_space<vmem>>) offsets(%arg13 : memref<128xi32, #tpu.memory_space<vmem>>) semaphore(%arg26 : memref<!tpu.dma_semaphore, #tpu.memory_space<semaphore_mem>>)
    %dma_start3A_82 = arith.constant 0 : i32
    %dma_start3A_83 = arith.constant 0 : i32
    %dma_start3A_84 = tpu.memref_slice %arg9[%dma_start3A_82, %dma_start3A_83] : memref<1000x32xf32, #tpu.memory_space<hbm>> -> memref<1000x32xf32, #tpu.memory_space<hbm>>
    tpu.enqueue_indirect_dma source(%dma_start3A_84 : memref<1000x32xf32, #tpu.memory_space<hbm>>) target(%arg23 : memref<128x32xf32, #tpu.memory_space<vmem>>) offsets(%arg13 : memref<128xi32, #tpu.memory_space<vmem>>) semaphore(%arg26 : memref<!tpu.dma_semaphore, #tpu.memory_space<semaphore_mem>>)
    %dma_wait3A_85 = arith.constant 0 : i32
    %dma_wait3A_86 = arith.constant 0 : i32
    %dma_wait3A_87 = tpu.memref_slice %arg6[%dma_wait3A_85, %dma_wait3A_86] : memref<1000000x32xf32, #tpu.memory_space<hbm>> -> memref<1000000x32xf32, #tpu.memory_space<hbm>>
    tpu.wait_indirect_dma semaphore(%arg26 : memref<!tpu.dma_semaphore, #tpu.memory_space<semaphore_mem>>) src(%dma_wait3A_87 : memref<1000000x32xf32, #tpu.memory_space<hbm>>) dst(%arg16 : memref<128x32xf32, #tpu.memory_space<vmem>>)
    %dma_wait3A_88 = arith.constant 0 : i32
    %dma_wait3A_89 = arith.constant 0 : i32
    %dma_wait3A_90 = tpu.memref_slice %arg7[%dma_wait3A_88, %dma_wait3A_89] : memref<1000000x32xf32, #tpu.memory_space<hbm>> -> memref<1000000x32xf32, #tpu.memory_space<hbm>>
    tpu.wait_indirect_dma semaphore(%arg26 : memref<!tpu.dma_semaphore, #tpu.memory_space<semaphore_mem>>) src(%dma_wait3A_90 : memref<1000000x32xf32, #tpu.memory_space<hbm>>) dst(%arg17 : memref<128x32xf32, #tpu.memory_space<vmem>>)
    %dma_wait3A_91 = arith.constant 0 : i32
    %dma_wait3A_92 = arith.constant 0 : i32
    %dma_wait3A_93 = tpu.memref_slice %arg6[%dma_wait3A_91, %dma_wait3A_92] : memref<1000000x32xf32, #tpu.memory_space<hbm>> -> memref<1000000x32xf32, #tpu.memory_space<hbm>>
    tpu.wait_indirect_dma semaphore(%arg26 : memref<!tpu.dma_semaphore, #tpu.memory_space<semaphore_mem>>) src(%dma_wait3A_93 : memref<1000000x32xf32, #tpu.memory_space<hbm>>) dst(%arg18 : memref<128x32xf32, #tpu.memory_space<vmem>>)
    %dma_wait3A_94 = arith.constant 0 : i32
    %dma_wait3A_95 = arith.constant 0 : i32
    %dma_wait3A_96 = tpu.memref_slice %arg7[%dma_wait3A_94, %dma_wait3A_95] : memref<1000000x32xf32, #tpu.memory_space<hbm>> -> memref<1000000x32xf32, #tpu.memory_space<hbm>>
    tpu.wait_indirect_dma semaphore(%arg26 : memref<!tpu.dma_semaphore, #tpu.memory_space<semaphore_mem>>) src(%dma_wait3A_96 : memref<1000000x32xf32, #tpu.memory_space<hbm>>) dst(%arg19 : memref<128x32xf32, #tpu.memory_space<vmem>>)
    %dma_wait3A_97 = arith.constant 0 : i32
    %dma_wait3A_98 = arith.constant 0 : i32
    %dma_wait3A_99 = tpu.memref_slice %arg6[%dma_wait3A_97, %dma_wait3A_98] : memref<1000000x32xf32, #tpu.memory_space<hbm>> -> memref<1000000x32xf32, #tpu.memory_space<hbm>>
    tpu.wait_indirect_dma semaphore(%arg26 : memref<!tpu.dma_semaphore, #tpu.memory_space<semaphore_mem>>) src(%dma_wait3A_99 : memref<1000000x32xf32, #tpu.memory_space<hbm>>) dst(%arg20 : memref<128x32xf32, #tpu.memory_space<vmem>>)
    %dma_wait3A_100 = arith.constant 0 : i32
    %dma_wait3A_101 = arith.constant 0 : i32
    %dma_wait3A_102 = tpu.memref_slice %arg7[%dma_wait3A_100, %dma_wait3A_101] : memref<1000000x32xf32, #tpu.memory_space<hbm>> -> memref<1000000x32xf32, #tpu.memory_space<hbm>>
    tpu.wait_indirect_dma semaphore(%arg26 : memref<!tpu.dma_semaphore, #tpu.memory_space<semaphore_mem>>) src(%dma_wait3A_102 : memref<1000000x32xf32, #tpu.memory_space<hbm>>) dst(%arg21 : memref<128x32xf32, #tpu.memory_space<vmem>>)
    %dma_wait3A_103 = arith.constant 0 : i32
    %dma_wait3A_104 = arith.constant 0 : i32
    %dma_wait3A_105 = tpu.memref_slice %arg8[%dma_wait3A_103, %dma_wait3A_104] : memref<1000x32xf32, #tpu.memory_space<hbm>> -> memref<1000x32xf32, #tpu.memory_space<hbm>>
    tpu.wait_indirect_dma semaphore(%arg26 : memref<!tpu.dma_semaphore, #tpu.memory_space<semaphore_mem>>) src(%dma_wait3A_105 : memref<1000x32xf32, #tpu.memory_space<hbm>>) dst(%arg22 : memref<128x32xf32, #tpu.memory_space<vmem>>)
    %dma_wait3A_106 = arith.constant 0 : i32
    %dma_wait3A_107 = arith.constant 0 : i32
    %dma_wait3A_108 = tpu.memref_slice %arg9[%dma_wait3A_106, %dma_wait3A_107] : memref<1000x32xf32, #tpu.memory_space<hbm>> -> memref<1000x32xf32, #tpu.memory_space<hbm>>
    tpu.wait_indirect_dma semaphore(%arg26 : memref<!tpu.dma_semaphore, #tpu.memory_space<semaphore_mem>>) src(%dma_wait3A_108 : memref<1000x32xf32, #tpu.memory_space<hbm>>) dst(%arg23 : memref<128x32xf32, #tpu.memory_space<vmem>>)
    %scan3A_109 = arith.constant 0 : i32
    %scan3A_110 = arith.constant 128 : i32
    %scan3A_111 = arith.addi %scan3A_109, %scan3A_110 : i32
    %scan3A_112 = arith.constant 1 : i32
    %scan3A_113 = scf.for %scan3A_234 = %scan3A_109 to %scan3A_111 step %scan3A_112 iter_args(%scan3A_235 = %scan3A_55) -> (vector<16xf32>)  : i32 {
      %get3A = arith.index_cast %scan3A_234 : i32 to index
      %get3A_236 = arith.constant 0 : index
      %get3A_237 = tpu.vector_load %arg16[%get3A, %get3A_236] {strides = array<i32>} : memref<128x32xf32, #tpu.memory_space<vmem>>, vector<1x16xf32>,
      %get3A_238 = vector.shape_cast %get3A_237 : vector<1x16xf32> to vector<16xf32>
      %get3A_239 = arith.index_cast %scan3A_234 : i32 to index
      %get3A_240 = arith.constant 16 : index
      %get3A_241 = tpu.vector_load %arg16[%get3A_239, %get3A_240] {strides = array<i32>} : memref<128x32xf32, #tpu.memory_space<vmem>>, vector<1x16xf32>,
      %get3A_242 = vector.shape_cast %get3A_241 : vector<1x16xf32> to vector<16xf32>
      %get3A_243 = arith.index_cast %scan3A_234 : i32 to index
      %get3A_244 = arith.constant 0 : index
      %get3A_245 = tpu.vector_load %arg17[%get3A_243, %get3A_244] {strides = array<i32>} : memref<128x32xf32, #tpu.memory_space<vmem>>, vector<1x16xf32>,
      %get3A_246 = vector.shape_cast %get3A_245 : vector<1x16xf32> to vector<16xf32>
      %get3A_247 = arith.index_cast %scan3A_234 : i32 to index
      %get3A_248 = arith.constant 16 : index
      %get3A_249 = tpu.vector_load %arg17[%get3A_247, %get3A_248] {strides = array<i32>} : memref<128x32xf32, #tpu.memory_space<vmem>>, vector<1x16xf32>,
      %get3A_250 = vector.shape_cast %get3A_249 : vector<1x16xf32> to vector<16xf32>
      %get3A_251 = arith.index_cast %scan3A_234 : i32 to index
      %get3A_252 = arith.constant 0 : index
      %get3A_253 = tpu.vector_load %arg22[%get3A_251, %get3A_252] {strides = array<i32>} : memref<128x32xf32, #tpu.memory_space<vmem>>, vector<1x16xf32>,
      %get3A_254 = vector.shape_cast %get3A_253 : vector<1x16xf32> to vector<16xf32>
      %get3A_255 = arith.index_cast %scan3A_234 : i32 to index
      %get3A_256 = arith.constant 16 : index
      %get3A_257 = tpu.vector_load %arg22[%get3A_255, %get3A_256] {strides = array<i32>} : memref<128x32xf32, #tpu.memory_space<vmem>>, vector<1x16xf32>,
      %get3A_258 = vector.shape_cast %get3A_257 : vector<1x16xf32> to vector<16xf32>
      %get3A_259 = arith.index_cast %scan3A_234 : i32 to index
      %get3A_260 = arith.constant 0 : index
      %get3A_261 = tpu.vector_load %arg23[%get3A_259, %get3A_260] {strides = array<i32>} : memref<128x32xf32, #tpu.memory_space<vmem>>, vector<1x16xf32>,
      %get3A_262 = vector.shape_cast %get3A_261 : vector<1x16xf32> to vector<16xf32>
      %get3A_263 = arith.index_cast %scan3A_234 : i32 to index
      %get3A_264 = arith.constant 16 : index
      %get3A_265 = tpu.vector_load %arg23[%get3A_263, %get3A_264] {strides = array<i32>} : memref<128x32xf32, #tpu.memory_space<vmem>>, vector<1x16xf32>,
      %get3A_266 = vector.shape_cast %get3A_265 : vector<1x16xf32> to vector<16xf32>
      %get3A_267 = arith.index_cast %scan3A_234 : i32 to index
      %get3A_268 = arith.constant 0 : index
      %get3A_269 = tpu.vector_load %arg18[%get3A_267, %get3A_268] {strides = array<i32>} : memref<128x32xf32, #tpu.memory_space<vmem>>, vector<1x16xf32>,
      %get3A_270 = vector.shape_cast %get3A_269 : vector<1x16xf32> to vector<16xf32>
      %get3A_271 = arith.index_cast %scan3A_234 : i32 to index
      %get3A_272 = arith.constant 16 : index
      %get3A_273 = tpu.vector_load %arg18[%get3A_271, %get3A_272] {strides = array<i32>} : memref<128x32xf32, #tpu.memory_space<vmem>>, vector<1x16xf32>,
      %get3A_274 = vector.shape_cast %get3A_273 : vector<1x16xf32> to vector<16xf32>
      %get3A_275 = arith.index_cast %scan3A_234 : i32 to index
      %get3A_276 = arith.constant 0 : index
      %get3A_277 = tpu.vector_load %arg19[%get3A_275, %get3A_276] {strides = array<i32>} : memref<128x32xf32, #tpu.memory_space<vmem>>, vector<1x16xf32>,
      %get3A_278 = vector.shape_cast %get3A_277 : vector<1x16xf32> to vector<16xf32>
      %get3A_279 = arith.index_cast %scan3A_234 : i32 to index
      %get3A_280 = arith.constant 16 : index
      %get3A_281 = tpu.vector_load %arg19[%get3A_279, %get3A_280] {strides = array<i32>} : memref<128x32xf32, #tpu.memory_space<vmem>>, vector<1x16xf32>,
      %get3A_282 = vector.shape_cast %get3A_281 : vector<1x16xf32> to vector<16xf32>
      %get3A_283 = arith.index_cast %scan3A_234 : i32 to index
      %get3A_284 = arith.constant 0 : index
      %get3A_285 = tpu.vector_load %arg20[%get3A_283, %get3A_284] {strides = array<i32>} : memref<128x32xf32, #tpu.memory_space<vmem>>, vector<1x16xf32>,
      %get3A_286 = vector.shape_cast %get3A_285 : vector<1x16xf32> to vector<16xf32>
      %get3A_287 = arith.index_cast %scan3A_234 : i32 to index
      %get3A_288 = arith.constant 16 : index
      %get3A_289 = tpu.vector_load %arg20[%get3A_287, %get3A_288] {strides = array<i32>} : memref<128x32xf32, #tpu.memory_space<vmem>>, vector<1x16xf32>,
      %get3A_290 = vector.shape_cast %get3A_289 : vector<1x16xf32> to vector<16xf32>
      %get3A_291 = arith.index_cast %scan3A_234 : i32 to index
      %get3A_292 = arith.constant 0 : index
      %get3A_293 = tpu.vector_load %arg21[%get3A_291, %get3A_292] {strides = array<i32>} : memref<128x32xf32, #tpu.memory_space<vmem>>, vector<1x16xf32>,
      %get3A_294 = vector.shape_cast %get3A_293 : vector<1x16xf32> to vector<16xf32>
      %get3A_295 = arith.index_cast %scan3A_234 : i32 to index
      %get3A_296 = arith.constant 16 : index
      %get3A_297 = tpu.vector_load %arg21[%get3A_295, %get3A_296] {strides = array<i32>} : memref<128x32xf32, #tpu.memory_space<vmem>>, vector<1x16xf32>,
      %get3A_298 = vector.shape_cast %get3A_297 : vector<1x16xf32> to vector<16xf32>
      %mul3A_299 = arith.mulf %get3A_238, %get3A_254 : vector<16xf32>
      %mul3A_300 = arith.mulf %get3A_246, %get3A_262 : vector<16xf32>
      %sub3A = arith.subf %mul3A_299, %mul3A_300 : vector<16xf32>
      %mul3A_301 = arith.mulf %get3A_242, %get3A_258 : vector<16xf32>
      %mul3A_302 = arith.mulf %get3A_250, %get3A_266 : vector<16xf32>
      %sub3A_303 = arith.subf %mul3A_301, %mul3A_302 : vector<16xf32>
      %mul3A_304 = arith.mulf %get3A_246, %get3A_254 : vector<16xf32>
      %mul3A_305 = arith.mulf %get3A_238, %get3A_262 : vector<16xf32>
      %add3A_306 = arith.addf %mul3A_304, %mul3A_305 : vector<16xf32>
      %mul3A_307 = arith.mulf %get3A_250, %get3A_258 : vector<16xf32>
      %mul3A_308 = arith.mulf %get3A_242, %get3A_266 : vector<16xf32>
      %add3A_309 = arith.addf %mul3A_307, %mul3A_308 : vector<16xf32>
      %sub3A_310 = arith.subf %get3A_286, %get3A_270 : vector<16xf32>
      %mul3A_311 = arith.mulf %sub3A, %sub3A_310 : vector<16xf32>
      %sub3A_312 = arith.subf %get3A_294, %get3A_278 : vector<16xf32>
      %mul3A_313 = arith.mulf %add3A_306, %sub3A_312 : vector<16xf32>
      %add3A_314 = arith.addf %mul3A_311, %mul3A_313 : vector<16xf32>
      %sub3A_315 = arith.subf %get3A_290, %get3A_274 : vector<16xf32>
      %mul3A_316 = arith.mulf %sub3A_303, %sub3A_315 : vector<16xf32>
      %sub3A_317 = arith.subf %get3A_298, %get3A_282 : vector<16xf32>
      %mul3A_318 = arith.mulf %add3A_309, %sub3A_317 : vector<16xf32>
      %add3A_319 = arith.addf %mul3A_316, %mul3A_318 : vector<16xf32>
      %add3A_320 = arith.addf %add3A_314, %add3A_319 : vector<16xf32>
      %swap3A_321 = arith.index_cast %scan3A_234 : i32 to index
      %swap3A_322 = arith.constant 0 : index
      %swap3A_323 = tpu.vector_load %arg24[%swap3A_321, %swap3A_322] {strides = array<i32>} : memref<128x16xf32, #tpu.memory_space<vmem>>, vector<1x16xf32>,
      %swap3A_324 = vector.shape_cast %swap3A_323 : vector<1x16xf32> to vector<16xf32>
      %swap3A_325 = vector.shape_cast %add3A_320 : vector<16xf32> to vector<1x16xf32>
      tpu.vector_store %arg24[%swap3A_321, %swap3A_322], %swap3A_325 {strides = array<i32>} : memref<128x16xf32, #tpu.memory_space<vmem>>, vector<1x16xf32>,
      %mul3A_326 = arith.mulf %get3A_238, %get3A_238 : vector<16xf32>
      %mul3A_327 = arith.mulf %get3A_242, %get3A_242 : vector<16xf32>
      %add3A_328 = arith.addf %mul3A_326, %mul3A_327 : vector<16xf32>
      %mul3A_329 = arith.mulf %get3A_246, %get3A_246 : vector<16xf32>
      %add3A_330 = arith.addf %add3A_328, %mul3A_329 : vector<16xf32>
      %mul3A_331 = arith.mulf %get3A_250, %get3A_250 : vector<16xf32>
      %add3A_332 = arith.addf %add3A_330, %mul3A_331 : vector<16xf32>
      %mul3A_333 = arith.mulf %get3A_270, %get3A_270 : vector<16xf32>
      %add3A_334 = arith.addf %add3A_332, %mul3A_333 : vector<16xf32>
      %mul3A_335 = arith.mulf %get3A_274, %get3A_274 : vector<16xf32>
      %add3A_336 = arith.addf %add3A_334, %mul3A_335 : vector<16xf32>
      %mul3A_337 = arith.mulf %get3A_278, %get3A_278 : vector<16xf32>
      %add3A_338 = arith.addf %add3A_336, %mul3A_337 : vector<16xf32>
      %mul3A_339 = arith.mulf %get3A_282, %get3A_282 : vector<16xf32>
      %add3A_340 = arith.addf %add3A_338, %mul3A_339 : vector<16xf32>
      %mul3A_341 = arith.mulf %get3A_286, %get3A_286 : vector<16xf32>
      %add3A_342 = arith.addf %add3A_340, %mul3A_341 : vector<16xf32>
      %mul3A_343 = arith.mulf %get3A_290, %get3A_290 : vector<16xf32>
      %add3A_344 = arith.addf %add3A_342, %mul3A_343 : vector<16xf32>
      %mul3A_345 = arith.mulf %get3A_294, %get3A_294 : vector<16xf32>
      %add3A_346 = arith.addf %add3A_344, %mul3A_345 : vector<16xf32>
      %mul3A_347 = arith.mulf %get3A_298, %get3A_298 : vector<16xf32>
      %add3A_348 = arith.addf %add3A_346, %mul3A_347 : vector<16xf32>
      %mul3A_349 = arith.mulf %get3A_254, %get3A_254 : vector<16xf32>
      %add3A_350 = arith.addf %add3A_348, %mul3A_349 : vector<16xf32>
      %mul3A_351 = arith.mulf %get3A_258, %get3A_258 : vector<16xf32>
      %add3A_352 = arith.addf %add3A_350, %mul3A_351 : vector<16xf32>
      %mul3A_353 = arith.mulf %get3A_262, %get3A_262 : vector<16xf32>
      %add3A_354 = arith.addf %add3A_352, %mul3A_353 : vector<16xf32>
      %mul3A_355 = arith.mulf %get3A_266, %get3A_266 : vector<16xf32>
      %add3A_356 = arith.addf %add3A_354, %mul3A_355 : vector<16xf32>
      %add3A_357 = arith.addf %scan3A_235, %add3A_356 : vector<16xf32>
      scf.yield %add3A_357 : vector<16xf32>
    }
    %scan3A_114 = arith.constant 128 : i32
    "tpu.region"() ({
      %run_scoped3A = tpu.sem_alloc : memref<!tpu.dma_semaphore, #tpu.memory_space<semaphore_mem>>
      %dma_start3A_234 = arith.constant 0 : i32
      %dma_start3A_235 = tpu.memref_slice %arg10[%add3A_60, %dma_start3A_234] : memref<16384x16xf32, #tpu.memory_space<hbm>> -> memref<128x16xf32, #tpu.memory_space<hbm>>
      %dma_start3A_236 = arith.constant 0 : i32
      %dma_start3A_237 = tpu.memref_slice %arg10[%add3A_60, %dma_start3A_236] : memref<16384x16xf32, #tpu.memory_space<hbm>> -> memref<128x16xf32, #tpu.memory_space<hbm>>
      tpu.enqueue_dma source(%arg24 : memref<128x16xf32, #tpu.memory_space<vmem>>) target(%dma_start3A_237 : memref<128x16xf32, #tpu.memory_space<hbm>>) target_semaphore(%run_scoped3A : memref<!tpu.dma_semaphore, #tpu.memory_space<semaphore_mem>>)
      %dma_wait3A_238 = arith.constant 0 : i32
      %dma_wait3A_239 = tpu.memref_slice %arg10[%add3A_60, %dma_wait3A_238] : memref<16384x16xf32, #tpu.memory_space<hbm>> -> memref<128x16xf32, #tpu.memory_space<hbm>>
      %dma_wait3A_240 = arith.constant 0 : i32
      %dma_wait3A_241 = tpu.memref_slice %arg10[%add3A_60, %dma_wait3A_240] : memref<16384x16xf32, #tpu.memory_space<hbm>> -> memref<128x16xf32, #tpu.memory_space<hbm>>
      tpu.wait_dma2 semaphore(%run_scoped3A : memref<!tpu.dma_semaphore, #tpu.memory_space<semaphore_mem>>) src(%arg24 : memref<128x16xf32, #tpu.memory_space<vmem>>) dst(%dma_wait3A_241 : memref<128x16xf32, #tpu.memory_space<hbm>>)
      tpu.yield
    }) : () -> ()
    %mul3A_115 = arith.constant 512 : i32
    %mul3A_116 = arith.muli %add3A, %mul3A_115 : i32
    %add3A_117 = arith.constant 256 : i32
    %add3A_118 = arith.addi %mul3A_116, %add3A_117 : i32
    "tpu.region"() ({
      %run_scoped3A = tpu.sem_alloc : memref<!tpu.dma_semaphore, #tpu.memory_space<semaphore_mem>>
      %dma_start3A_234 = tpu.memref_slice %arg2[%add3A_118] : memref<16384xi32, #tpu.memory_space<hbm>> -> memref<128xi32, #tpu.memory_space<hbm>>
      %dma_start3A_235 = tpu.memref_slice %arg2[%add3A_118] : memref<16384xi32, #tpu.memory_space<hbm>> -> memref<128xi32, #tpu.memory_space<hbm>>
      tpu.enqueue_dma source(%dma_start3A_235 : memref<128xi32, #tpu.memory_space<hbm>>) target(%arg12 : memref<128xi32, #tpu.memory_space<vmem>>) target_semaphore(%run_scoped3A : memref<!tpu.dma_semaphore, #tpu.memory_space<semaphore_mem>>)
      %dma_wait3A_236 = tpu.memref_slice %arg2[%add3A_118] : memref<16384xi32, #tpu.memory_space<hbm>> -> memref<128xi32, #tpu.memory_space<hbm>>
      %dma_wait3A_237 = tpu.memref_slice %arg2[%add3A_118] : memref<16384xi32, #tpu.memory_space<hbm>> -> memref<128xi32, #tpu.memory_space<hbm>>
      tpu.wait_dma2 semaphore(%run_scoped3A : memref<!tpu.dma_semaphore, #tpu.memory_space<semaphore_mem>>) src(%dma_wait3A_237 : memref<128xi32, #tpu.memory_space<hbm>>) dst(%arg12 : memref<128xi32, #tpu.memory_space<vmem>>)
      tpu.yield
    }) : () -> ()
    "tpu.region"() ({
      %run_scoped3A = tpu.sem_alloc : memref<!tpu.dma_semaphore, #tpu.memory_space<semaphore_mem>>
      %dma_start3A_234 = tpu.memref_slice %arg3[%add3A_118] : memref<16384xi32, #tpu.memory_space<hbm>> -> memref<128xi32, #tpu.memory_space<hbm>>
      %dma_start3A_235 = tpu.memref_slice %arg3[%add3A_118] : memref<16384xi32, #tpu.memory_space<hbm>> -> memref<128xi32, #tpu.memory_space<hbm>>
      tpu.enqueue_dma source(%dma_start3A_235 : memref<128xi32, #tpu.memory_space<hbm>>) target(%arg13 : memref<128xi32, #tpu.memory_space<vmem>>) target_semaphore(%run_scoped3A : memref<!tpu.dma_semaphore, #tpu.memory_space<semaphore_mem>>)
      %dma_wait3A_236 = tpu.memref_slice %arg3[%add3A_118] : memref<16384xi32, #tpu.memory_space<hbm>> -> memref<128xi32, #tpu.memory_space<hbm>>
      %dma_wait3A_237 = tpu.memref_slice %arg3[%add3A_118] : memref<16384xi32, #tpu.memory_space<hbm>> -> memref<128xi32, #tpu.memory_space<hbm>>
      tpu.wait_dma2 semaphore(%run_scoped3A : memref<!tpu.dma_semaphore, #tpu.memory_space<semaphore_mem>>) src(%dma_wait3A_237 : memref<128xi32, #tpu.memory_space<hbm>>) dst(%arg13 : memref<128xi32, #tpu.memory_space<vmem>>)
      tpu.yield
    }) : () -> ()
    "tpu.region"() ({
      %run_scoped3A = tpu.sem_alloc : memref<!tpu.dma_semaphore, #tpu.memory_space<semaphore_mem>>
      %dma_start3A_234 = tpu.memref_slice %arg4[%add3A_118] : memref<16384xi32, #tpu.memory_space<hbm>> -> memref<128xi32, #tpu.memory_space<hbm>>
      %dma_start3A_235 = tpu.memref_slice %arg4[%add3A_118] : memref<16384xi32, #tpu.memory_space<hbm>> -> memref<128xi32, #tpu.memory_space<hbm>>
      tpu.enqueue_dma source(%dma_start3A_235 : memref<128xi32, #tpu.memory_space<hbm>>) target(%arg14 : memref<128xi32, #tpu.memory_space<vmem>>) target_semaphore(%run_scoped3A : memref<!tpu.dma_semaphore, #tpu.memory_space<semaphore_mem>>)
      %dma_wait3A_236 = tpu.memref_slice %arg4[%add3A_118] : memref<16384xi32, #tpu.memory_space<hbm>> -> memref<128xi32, #tpu.memory_space<hbm>>
      %dma_wait3A_237 = tpu.memref_slice %arg4[%add3A_118] : memref<16384xi32, #tpu.memory_space<hbm>> -> memref<128xi32, #tpu.memory_space<hbm>>
      tpu.wait_dma2 semaphore(%run_scoped3A : memref<!tpu.dma_semaphore, #tpu.memory_space<semaphore_mem>>) src(%dma_wait3A_237 : memref<128xi32, #tpu.memory_space<hbm>>) dst(%arg14 : memref<128xi32, #tpu.memory_space<vmem>>)
      tpu.yield
    }) : () -> ()
    "tpu.region"() ({
      %run_scoped3A = tpu.sem_alloc : memref<!tpu.dma_semaphore, #tpu.memory_space<semaphore_mem>>
      %dma_start3A_234 = tpu.memref_slice %arg5[%add3A_118] : memref<16384xi32, #tpu.memory_space<hbm>> -> memref<128xi32, #tpu.memory_space<hbm>>
      %dma_start3A_235 = tpu.memref_slice %arg5[%add3A_118] : memref<16384xi32, #tpu.memory_space<hbm>> -> memref<128xi32, #tpu.memory_space<hbm>>
      tpu.enqueue_dma source(%dma_start3A_235 : memref<128xi32, #tpu.memory_space<hbm>>) target(%arg15 : memref<128xi32, #tpu.memory_space<vmem>>) target_semaphore(%run_scoped3A : memref<!tpu.dma_semaphore, #tpu.memory_space<semaphore_mem>>)
      %dma_wait3A_236 = tpu.memref_slice %arg5[%add3A_118] : memref<16384xi32, #tpu.memory_space<hbm>> -> memref<128xi32, #tpu.memory_space<hbm>>
      %dma_wait3A_237 = tpu.memref_slice %arg5[%add3A_118] : memref<16384xi32, #tpu.memory_space<hbm>> -> memref<128xi32, #tpu.memory_space<hbm>>
      tpu.wait_dma2 semaphore(%run_scoped3A : memref<!tpu.dma_semaphore, #tpu.memory_space<semaphore_mem>>) src(%dma_wait3A_237 : memref<128xi32, #tpu.memory_space<hbm>>) dst(%arg15 : memref<128xi32, #tpu.memory_space<vmem>>)
      tpu.yield
    }) : () -> ()
    %dma_start3A_119 = arith.constant 0 : i32
    %dma_start3A_120 = arith.constant 0 : i32
    %dma_start3A_121 = tpu.memref_slice %arg6[%dma_start3A_119, %dma_start3A_120] : memref<1000000x32xf32, #tpu.memory_space<hbm>> -> memref<1000000x32xf32, #tpu.memory_space<hbm>>
    tpu.enqueue_indirect_dma source(%dma_start3A_121 : memref<1000000x32xf32, #tpu.memory_space<hbm>>) target(%arg16 : memref<128x32xf32, #tpu.memory_space<vmem>>) offsets(%arg12 : memref<128xi32, #tpu.memory_space<vmem>>) semaphore(%arg26 : memref<!tpu.dma_semaphore, #tpu.memory_space<semaphore_mem>>)
    %dma_start3A_122 = arith.constant 0 : i32
    %dma_start3A_123 = arith.constant 0 : i32
    %dma_start3A_124 = tpu.memref_slice %arg7[%dma_start3A_122, %dma_start3A_123] : memref<1000000x32xf32, #tpu.memory_space<hbm>> -> memref<1000000x32xf32, #tpu.memory_space<hbm>>
    tpu.enqueue_indirect_dma source(%dma_start3A_124 : memref<1000000x32xf32, #tpu.memory_space<hbm>>) target(%arg17 : memref<128x32xf32, #tpu.memory_space<vmem>>) offsets(%arg12 : memref<128xi32, #tpu.memory_space<vmem>>) semaphore(%arg26 : memref<!tpu.dma_semaphore, #tpu.memory_space<semaphore_mem>>)
    %dma_start3A_125 = arith.constant 0 : i32
    %dma_start3A_126 = arith.constant 0 : i32
    %dma_start3A_127 = tpu.memref_slice %arg6[%dma_start3A_125, %dma_start3A_126] : memref<1000000x32xf32, #tpu.memory_space<hbm>> -> memref<1000000x32xf32, #tpu.memory_space<hbm>>
    tpu.enqueue_indirect_dma source(%dma_start3A_127 : memref<1000000x32xf32, #tpu.memory_space<hbm>>) target(%arg18 : memref<128x32xf32, #tpu.memory_space<vmem>>) offsets(%arg14 : memref<128xi32, #tpu.memory_space<vmem>>) semaphore(%arg26 : memref<!tpu.dma_semaphore, #tpu.memory_space<semaphore_mem>>)
    %dma_start3A_128 = arith.constant 0 : i32
    %dma_start3A_129 = arith.constant 0 : i32
    %dma_start3A_130 = tpu.memref_slice %arg7[%dma_start3A_128, %dma_start3A_129] : memref<1000000x32xf32, #tpu.memory_space<hbm>> -> memref<1000000x32xf32, #tpu.memory_space<hbm>>
    tpu.enqueue_indirect_dma source(%dma_start3A_130 : memref<1000000x32xf32, #tpu.memory_space<hbm>>) target(%arg19 : memref<128x32xf32, #tpu.memory_space<vmem>>) offsets(%arg14 : memref<128xi32, #tpu.memory_space<vmem>>) semaphore(%arg26 : memref<!tpu.dma_semaphore, #tpu.memory_space<semaphore_mem>>)
    %dma_start3A_131 = arith.constant 0 : i32
    %dma_start3A_132 = arith.constant 0 : i32
    %dma_start3A_133 = tpu.memref_slice %arg6[%dma_start3A_131, %dma_start3A_132] : memref<1000000x32xf32, #tpu.memory_space<hbm>> -> memref<1000000x32xf32, #tpu.memory_space<hbm>>
    tpu.enqueue_indirect_dma source(%dma_start3A_133 : memref<1000000x32xf32, #tpu.memory_space<hbm>>) target(%arg20 : memref<128x32xf32, #tpu.memory_space<vmem>>) offsets(%arg15 : memref<128xi32, #tpu.memory_space<vmem>>) semaphore(%arg26 : memref<!tpu.dma_semaphore, #tpu.memory_space<semaphore_mem>>)
    %dma_start3A_134 = arith.constant 0 : i32
    %dma_start3A_135 = arith.constant 0 : i32
    %dma_start3A_136 = tpu.memref_slice %arg7[%dma_start3A_134, %dma_start3A_135] : memref<1000000x32xf32, #tpu.memory_space<hbm>> -> memref<1000000x32xf32, #tpu.memory_space<hbm>>
    tpu.enqueue_indirect_dma source(%dma_start3A_136 : memref<1000000x32xf32, #tpu.memory_space<hbm>>) target(%arg21 : memref<128x32xf32, #tpu.memory_space<vmem>>) offsets(%arg15 : memref<128xi32, #tpu.memory_space<vmem>>) semaphore(%arg26 : memref<!tpu.dma_semaphore, #tpu.memory_space<semaphore_mem>>)
    %dma_start3A_137 = arith.constant 0 : i32
    %dma_start3A_138 = arith.constant 0 : i32
    %dma_start3A_139 = tpu.memref_slice %arg8[%dma_start3A_137, %dma_start3A_138] : memref<1000x32xf32, #tpu.memory_space<hbm>> -> memref<1000x32xf32, #tpu.memory_space<hbm>>
    tpu.enqueue_indirect_dma source(%dma_start3A_139 : memref<1000x32xf32, #tpu.memory_space<hbm>>) target(%arg22 : memref<128x32xf32, #tpu.memory_space<vmem>>) offsets(%arg13 : memref<128xi32, #tpu.memory_space<vmem>>) semaphore(%arg26 : memref<!tpu.dma_semaphore, #tpu.memory_space<semaphore_mem>>)
    %dma_start3A_140 = arith.constant 0 : i32
    %dma_start3A_141 = arith.constant 0 : i32
    %dma_start3A_142 = tpu.memref_slice %arg9[%dma_start3A_140, %dma_start3A_141] : memref<1000x32xf32, #tpu.memory_space<hbm>> -> memref<1000x32xf32, #tpu.memory_space<hbm>>
    tpu.enqueue_indirect_dma source(%dma_start3A_142 : memref<1000x32xf32, #tpu.memory_space<hbm>>) target(%arg23 : memref<128x32xf32, #tpu.memory_space<vmem>>) offsets(%arg13 : memref<128xi32, #tpu.memory_space<vmem>>) semaphore(%arg26 : memref<!tpu.dma_semaphore, #tpu.memory_space<semaphore_mem>>)
    %dma_wait3A_143 = arith.constant 0 : i32
    %dma_wait3A_144 = arith.constant 0 : i32
    %dma_wait3A_145 = tpu.memref_slice %arg6[%dma_wait3A_143, %dma_wait3A_144] : memref<1000000x32xf32, #tpu.memory_space<hbm>> -> memref<1000000x32xf32, #tpu.memory_space<hbm>>
    tpu.wait_indirect_dma semaphore(%arg26 : memref<!tpu.dma_semaphore, #tpu.memory_space<semaphore_mem>>) src(%dma_wait3A_145 : memref<1000000x32xf32, #tpu.memory_space<hbm>>) dst(%arg16 : memref<128x32xf32, #tpu.memory_space<vmem>>)
    %dma_wait3A_146 = arith.constant 0 : i32
    %dma_wait3A_147 = arith.constant 0 : i32
    %dma_wait3A_148 = tpu.memref_slice %arg7[%dma_wait3A_146, %dma_wait3A_147] : memref<1000000x32xf32, #tpu.memory_space<hbm>> -> memref<1000000x32xf32, #tpu.memory_space<hbm>>
    tpu.wait_indirect_dma semaphore(%arg26 : memref<!tpu.dma_semaphore, #tpu.memory_space<semaphore_mem>>) src(%dma_wait3A_148 : memref<1000000x32xf32, #tpu.memory_space<hbm>>) dst(%arg17 : memref<128x32xf32, #tpu.memory_space<vmem>>)
    %dma_wait3A_149 = arith.constant 0 : i32
    %dma_wait3A_150 = arith.constant 0 : i32
    %dma_wait3A_151 = tpu.memref_slice %arg6[%dma_wait3A_149, %dma_wait3A_150] : memref<1000000x32xf32, #tpu.memory_space<hbm>> -> memref<1000000x32xf32, #tpu.memory_space<hbm>>
    tpu.wait_indirect_dma semaphore(%arg26 : memref<!tpu.dma_semaphore, #tpu.memory_space<semaphore_mem>>) src(%dma_wait3A_151 : memref<1000000x32xf32, #tpu.memory_space<hbm>>) dst(%arg18 : memref<128x32xf32, #tpu.memory_space<vmem>>)
    %dma_wait3A_152 = arith.constant 0 : i32
    %dma_wait3A_153 = arith.constant 0 : i32
    %dma_wait3A_154 = tpu.memref_slice %arg7[%dma_wait3A_152, %dma_wait3A_153] : memref<1000000x32xf32, #tpu.memory_space<hbm>> -> memref<1000000x32xf32, #tpu.memory_space<hbm>>
    tpu.wait_indirect_dma semaphore(%arg26 : memref<!tpu.dma_semaphore, #tpu.memory_space<semaphore_mem>>) src(%dma_wait3A_154 : memref<1000000x32xf32, #tpu.memory_space<hbm>>) dst(%arg19 : memref<128x32xf32, #tpu.memory_space<vmem>>)
    %dma_wait3A_155 = arith.constant 0 : i32
    %dma_wait3A_156 = arith.constant 0 : i32
    %dma_wait3A_157 = tpu.memref_slice %arg6[%dma_wait3A_155, %dma_wait3A_156] : memref<1000000x32xf32, #tpu.memory_space<hbm>> -> memref<1000000x32xf32, #tpu.memory_space<hbm>>
    tpu.wait_indirect_dma semaphore(%arg26 : memref<!tpu.dma_semaphore, #tpu.memory_space<semaphore_mem>>) src(%dma_wait3A_157 : memref<1000000x32xf32, #tpu.memory_space<hbm>>) dst(%arg20 : memref<128x32xf32, #tpu.memory_space<vmem>>)
    %dma_wait3A_158 = arith.constant 0 : i32
    %dma_wait3A_159 = arith.constant 0 : i32
    %dma_wait3A_160 = tpu.memref_slice %arg7[%dma_wait3A_158, %dma_wait3A_159] : memref<1000000x32xf32, #tpu.memory_space<hbm>> -> memref<1000000x32xf32, #tpu.memory_space<hbm>>
    tpu.wait_indirect_dma semaphore(%arg26 : memref<!tpu.dma_semaphore, #tpu.memory_space<semaphore_mem>>) src(%dma_wait3A_160 : memref<1000000x32xf32, #tpu.memory_space<hbm>>) dst(%arg21 : memref<128x32xf32, #tpu.memory_space<vmem>>)
    %dma_wait3A_161 = arith.constant 0 : i32
    %dma_wait3A_162 = arith.constant 0 : i32
    %dma_wait3A_163 = tpu.memref_slice %arg8[%dma_wait3A_161, %dma_wait3A_162] : memref<1000x32xf32, #tpu.memory_space<hbm>> -> memref<1000x32xf32, #tpu.memory_space<hbm>>
    tpu.wait_indirect_dma semaphore(%arg26 : memref<!tpu.dma_semaphore, #tpu.memory_space<semaphore_mem>>) src(%dma_wait3A_163 : memref<1000x32xf32, #tpu.memory_space<hbm>>) dst(%arg22 : memref<128x32xf32, #tpu.memory_space<vmem>>)
    %dma_wait3A_164 = arith.constant 0 : i32
    %dma_wait3A_165 = arith.constant 0 : i32
    %dma_wait3A_166 = tpu.memref_slice %arg9[%dma_wait3A_164, %dma_wait3A_165] : memref<1000x32xf32, #tpu.memory_space<hbm>> -> memref<1000x32xf32, #tpu.memory_space<hbm>>
    tpu.wait_indirect_dma semaphore(%arg26 : memref<!tpu.dma_semaphore, #tpu.memory_space<semaphore_mem>>) src(%dma_wait3A_166 : memref<1000x32xf32, #tpu.memory_space<hbm>>) dst(%arg23 : memref<128x32xf32, #tpu.memory_space<vmem>>)
    %scan3A_167 = arith.constant 0 : i32
    %scan3A_168 = arith.constant 128 : i32
    %scan3A_169 = arith.addi %scan3A_167, %scan3A_168 : i32
    %scan3A_170 = arith.constant 1 : i32
    %scan3A_171 = scf.for %scan3A_234 = %scan3A_167 to %scan3A_169 step %scan3A_170 iter_args(%scan3A_235 = %scan3A_113) -> (vector<16xf32>)  : i32 {
      %get3A = arith.index_cast %scan3A_234 : i32 to index
      %get3A_236 = arith.constant 0 : index
      %get3A_237 = tpu.vector_load %arg16[%get3A, %get3A_236] {strides = array<i32>} : memref<128x32xf32, #tpu.memory_space<vmem>>, vector<1x16xf32>,
      %get3A_238 = vector.shape_cast %get3A_237 : vector<1x16xf32> to vector<16xf32>
      %get3A_239 = arith.index_cast %scan3A_234 : i32 to index
      %get3A_240 = arith.constant 16 : index
      %get3A_241 = tpu.vector_load %arg16[%get3A_239, %get3A_240] {strides = array<i32>} : memref<128x32xf32, #tpu.memory_space<vmem>>, vector<1x16xf32>,
      %get3A_242 = vector.shape_cast %get3A_241 : vector<1x16xf32> to vector<16xf32>
      %get3A_243 = arith.index_cast %scan3A_234 : i32 to index
      %get3A_244 = arith.constant 0 : index
      %get3A_245 = tpu.vector_load %arg17[%get3A_243, %get3A_244] {strides = array<i32>} : memref<128x32xf32, #tpu.memory_space<vmem>>, vector<1x16xf32>,
      %get3A_246 = vector.shape_cast %get3A_245 : vector<1x16xf32> to vector<16xf32>
      %get3A_247 = arith.index_cast %scan3A_234 : i32 to index
      %get3A_248 = arith.constant 16 : index
      %get3A_249 = tpu.vector_load %arg17[%get3A_247, %get3A_248] {strides = array<i32>} : memref<128x32xf32, #tpu.memory_space<vmem>>, vector<1x16xf32>,
      %get3A_250 = vector.shape_cast %get3A_249 : vector<1x16xf32> to vector<16xf32>
      %get3A_251 = arith.index_cast %scan3A_234 : i32 to index
      %get3A_252 = arith.constant 0 : index
      %get3A_253 = tpu.vector_load %arg22[%get3A_251, %get3A_252] {strides = array<i32>} : memref<128x32xf32, #tpu.memory_space<vmem>>, vector<1x16xf32>,
      %get3A_254 = vector.shape_cast %get3A_253 : vector<1x16xf32> to vector<16xf32>
      %get3A_255 = arith.index_cast %scan3A_234 : i32 to index
      %get3A_256 = arith.constant 16 : index
      %get3A_257 = tpu.vector_load %arg22[%get3A_255, %get3A_256] {strides = array<i32>} : memref<128x32xf32, #tpu.memory_space<vmem>>, vector<1x16xf32>,
      %get3A_258 = vector.shape_cast %get3A_257 : vector<1x16xf32> to vector<16xf32>
      %get3A_259 = arith.index_cast %scan3A_234 : i32 to index
      %get3A_260 = arith.constant 0 : index
      %get3A_261 = tpu.vector_load %arg23[%get3A_259, %get3A_260] {strides = array<i32>} : memref<128x32xf32, #tpu.memory_space<vmem>>, vector<1x16xf32>,
      %get3A_262 = vector.shape_cast %get3A_261 : vector<1x16xf32> to vector<16xf32>
      %get3A_263 = arith.index_cast %scan3A_234 : i32 to index
      %get3A_264 = arith.constant 16 : index
      %get3A_265 = tpu.vector_load %arg23[%get3A_263, %get3A_264] {strides = array<i32>} : memref<128x32xf32, #tpu.memory_space<vmem>>, vector<1x16xf32>,
      %get3A_266 = vector.shape_cast %get3A_265 : vector<1x16xf32> to vector<16xf32>
      %get3A_267 = arith.index_cast %scan3A_234 : i32 to index
      %get3A_268 = arith.constant 0 : index
      %get3A_269 = tpu.vector_load %arg18[%get3A_267, %get3A_268] {strides = array<i32>} : memref<128x32xf32, #tpu.memory_space<vmem>>, vector<1x16xf32>,
      %get3A_270 = vector.shape_cast %get3A_269 : vector<1x16xf32> to vector<16xf32>
      %get3A_271 = arith.index_cast %scan3A_234 : i32 to index
      %get3A_272 = arith.constant 16 : index
      %get3A_273 = tpu.vector_load %arg18[%get3A_271, %get3A_272] {strides = array<i32>} : memref<128x32xf32, #tpu.memory_space<vmem>>, vector<1x16xf32>,
      %get3A_274 = vector.shape_cast %get3A_273 : vector<1x16xf32> to vector<16xf32>
      %get3A_275 = arith.index_cast %scan3A_234 : i32 to index
      %get3A_276 = arith.constant 0 : index
      %get3A_277 = tpu.vector_load %arg19[%get3A_275, %get3A_276] {strides = array<i32>} : memref<128x32xf32, #tpu.memory_space<vmem>>, vector<1x16xf32>,
      %get3A_278 = vector.shape_cast %get3A_277 : vector<1x16xf32> to vector<16xf32>
      %get3A_279 = arith.index_cast %scan3A_234 : i32 to index
      %get3A_280 = arith.constant 16 : index
      %get3A_281 = tpu.vector_load %arg19[%get3A_279, %get3A_280] {strides = array<i32>} : memref<128x32xf32, #tpu.memory_space<vmem>>, vector<1x16xf32>,
      %get3A_282 = vector.shape_cast %get3A_281 : vector<1x16xf32> to vector<16xf32>
      %get3A_283 = arith.index_cast %scan3A_234 : i32 to index
      %get3A_284 = arith.constant 0 : index
      %get3A_285 = tpu.vector_load %arg20[%get3A_283, %get3A_284] {strides = array<i32>} : memref<128x32xf32, #tpu.memory_space<vmem>>, vector<1x16xf32>,
      %get3A_286 = vector.shape_cast %get3A_285 : vector<1x16xf32> to vector<16xf32>
      %get3A_287 = arith.index_cast %scan3A_234 : i32 to index
      %get3A_288 = arith.constant 16 : index
      %get3A_289 = tpu.vector_load %arg20[%get3A_287, %get3A_288] {strides = array<i32>} : memref<128x32xf32, #tpu.memory_space<vmem>>, vector<1x16xf32>,
      %get3A_290 = vector.shape_cast %get3A_289 : vector<1x16xf32> to vector<16xf32>
      %get3A_291 = arith.index_cast %scan3A_234 : i32 to index
      %get3A_292 = arith.constant 0 : index
      %get3A_293 = tpu.vector_load %arg21[%get3A_291, %get3A_292] {strides = array<i32>} : memref<128x32xf32, #tpu.memory_space<vmem>>, vector<1x16xf32>,
      %get3A_294 = vector.shape_cast %get3A_293 : vector<1x16xf32> to vector<16xf32>
      %get3A_295 = arith.index_cast %scan3A_234 : i32 to index
      %get3A_296 = arith.constant 16 : index
      %get3A_297 = tpu.vector_load %arg21[%get3A_295, %get3A_296] {strides = array<i32>} : memref<128x32xf32, #tpu.memory_space<vmem>>, vector<1x16xf32>,
      %get3A_298 = vector.shape_cast %get3A_297 : vector<1x16xf32> to vector<16xf32>
      %mul3A_299 = arith.mulf %get3A_238, %get3A_254 : vector<16xf32>
      %mul3A_300 = arith.mulf %get3A_246, %get3A_262 : vector<16xf32>
      %sub3A = arith.subf %mul3A_299, %mul3A_300 : vector<16xf32>
      %mul3A_301 = arith.mulf %get3A_242, %get3A_258 : vector<16xf32>
      %mul3A_302 = arith.mulf %get3A_250, %get3A_266 : vector<16xf32>
      %sub3A_303 = arith.subf %mul3A_301, %mul3A_302 : vector<16xf32>
      %mul3A_304 = arith.mulf %get3A_246, %get3A_254 : vector<16xf32>
      %mul3A_305 = arith.mulf %get3A_238, %get3A_262 : vector<16xf32>
      %add3A_306 = arith.addf %mul3A_304, %mul3A_305 : vector<16xf32>
      %mul3A_307 = arith.mulf %get3A_250, %get3A_258 : vector<16xf32>
      %mul3A_308 = arith.mulf %get3A_242, %get3A_266 : vector<16xf32>
      %add3A_309 = arith.addf %mul3A_307, %mul3A_308 : vector<16xf32>
      %sub3A_310 = arith.subf %get3A_286, %get3A_270 : vector<16xf32>
      %mul3A_311 = arith.mulf %sub3A, %sub3A_310 : vector<16xf32>
      %sub3A_312 = arith.subf %get3A_294, %get3A_278 : vector<16xf32>
      %mul3A_313 = arith.mulf %add3A_306, %sub3A_312 : vector<16xf32>
      %add3A_314 = arith.addf %mul3A_311, %mul3A_313 : vector<16xf32>
      %sub3A_315 = arith.subf %get3A_290, %get3A_274 : vector<16xf32>
      %mul3A_316 = arith.mulf %sub3A_303, %sub3A_315 : vector<16xf32>
      %sub3A_317 = arith.subf %get3A_298, %get3A_282 : vector<16xf32>
      %mul3A_318 = arith.mulf %add3A_309, %sub3A_317 : vector<16xf32>
      %add3A_319 = arith.addf %mul3A_316, %mul3A_318 : vector<16xf32>
      %add3A_320 = arith.addf %add3A_314, %add3A_319 : vector<16xf32>
      %swap3A_321 = arith.index_cast %scan3A_234 : i32 to index
      %swap3A_322 = arith.constant 0 : index
      %swap3A_323 = tpu.vector_load %arg24[%swap3A_321, %swap3A_322] {strides = array<i32>} : memref<128x16xf32, #tpu.memory_space<vmem>>, vector<1x16xf32>,
      %swap3A_324 = vector.shape_cast %swap3A_323 : vector<1x16xf32> to vector<16xf32>
      %swap3A_325 = vector.shape_cast %add3A_320 : vector<16xf32> to vector<1x16xf32>
      tpu.vector_store %arg24[%swap3A_321, %swap3A_322], %swap3A_325 {strides = array<i32>} : memref<128x16xf32, #tpu.memory_space<vmem>>, vector<1x16xf32>,
      %mul3A_326 = arith.mulf %get3A_238, %get3A_238 : vector<16xf32>
      %mul3A_327 = arith.mulf %get3A_242, %get3A_242 : vector<16xf32>
      %add3A_328 = arith.addf %mul3A_326, %mul3A_327 : vector<16xf32>
      %mul3A_329 = arith.mulf %get3A_246, %get3A_246 : vector<16xf32>
      %add3A_330 = arith.addf %add3A_328, %mul3A_329 : vector<16xf32>
      %mul3A_331 = arith.mulf %get3A_250, %get3A_250 : vector<16xf32>
      %add3A_332 = arith.addf %add3A_330, %mul3A_331 : vector<16xf32>
      %mul3A_333 = arith.mulf %get3A_270, %get3A_270 : vector<16xf32>
      %add3A_334 = arith.addf %add3A_332, %mul3A_333 : vector<16xf32>
      %mul3A_335 = arith.mulf %get3A_274, %get3A_274 : vector<16xf32>
      %add3A_336 = arith.addf %add3A_334, %mul3A_335 : vector<16xf32>
      %mul3A_337 = arith.mulf %get3A_278, %get3A_278 : vector<16xf32>
      %add3A_338 = arith.addf %add3A_336, %mul3A_337 : vector<16xf32>
      %mul3A_339 = arith.mulf %get3A_282, %get3A_282 : vector<16xf32>
      %add3A_340 = arith.addf %add3A_338, %mul3A_339 : vector<16xf32>
      %mul3A_341 = arith.mulf %get3A_286, %get3A_286 : vector<16xf32>
      %add3A_342 = arith.addf %add3A_340, %mul3A_341 : vector<16xf32>
      %mul3A_343 = arith.mulf %get3A_290, %get3A_290 : vector<16xf32>
      %add3A_344 = arith.addf %add3A_342, %mul3A_343 : vector<16xf32>
      %mul3A_345 = arith.mulf %get3A_294, %get3A_294 : vector<16xf32>
      %add3A_346 = arith.addf %add3A_344, %mul3A_345 : vector<16xf32>
      %mul3A_347 = arith.mulf %get3A_298, %get3A_298 : vector<16xf32>
      %add3A_348 = arith.addf %add3A_346, %mul3A_347 : vector<16xf32>
      %mul3A_349 = arith.mulf %get3A_254, %get3A_254 : vector<16xf32>
      %add3A_350 = arith.addf %add3A_348, %mul3A_349 : vector<16xf32>
      %mul3A_351 = arith.mulf %get3A_258, %get3A_258 : vector<16xf32>
      %add3A_352 = arith.addf %add3A_350, %mul3A_351 : vector<16xf32>
      %mul3A_353 = arith.mulf %get3A_262, %get3A_262 : vector<16xf32>
      %add3A_354 = arith.addf %add3A_352, %mul3A_353 : vector<16xf32>
      %mul3A_355 = arith.mulf %get3A_266, %get3A_266 : vector<16xf32>
      %add3A_356 = arith.addf %add3A_354, %mul3A_355 : vector<16xf32>
      %add3A_357 = arith.addf %scan3A_235, %add3A_356 : vector<16xf32>
      scf.yield %add3A_357 : vector<16xf32>
    }
    %scan3A_172 = arith.constant 128 : i32
    "tpu.region"() ({
      %run_scoped3A = tpu.sem_alloc : memref<!tpu.dma_semaphore, #tpu.memory_space<semaphore_mem>>
      %dma_start3A_234 = arith.constant 0 : i32
      %dma_start3A_235 = tpu.memref_slice %arg10[%add3A_118, %dma_start3A_234] : memref<16384x16xf32, #tpu.memory_space<hbm>> -> memref<128x16xf32, #tpu.memory_space<hbm>>
      %dma_start3A_236 = arith.constant 0 : i32
      %dma_start3A_237 = tpu.memref_slice %arg10[%add3A_118, %dma_start3A_236] : memref<16384x16xf32, #tpu.memory_space<hbm>> -> memref<128x16xf32, #tpu.memory_space<hbm>>
      tpu.enqueue_dma source(%arg24 : memref<128x16xf32, #tpu.memory_space<vmem>>) target(%dma_start3A_237 : memref<128x16xf32, #tpu.memory_space<hbm>>) target_semaphore(%run_scoped3A : memref<!tpu.dma_semaphore, #tpu.memory_space<semaphore_mem>>)
      %dma_wait3A_238 = arith.constant 0 : i32
      %dma_wait3A_239 = tpu.memref_slice %arg10[%add3A_118, %dma_wait3A_238] : memref<16384x16xf32, #tpu.memory_space<hbm>> -> memref<128x16xf32, #tpu.memory_space<hbm>>
      %dma_wait3A_240 = arith.constant 0 : i32
      %dma_wait3A_241 = tpu.memref_slice %arg10[%add3A_118, %dma_wait3A_240] : memref<16384x16xf32, #tpu.memory_space<hbm>> -> memref<128x16xf32, #tpu.memory_space<hbm>>
      tpu.wait_dma2 semaphore(%run_scoped3A : memref<!tpu.dma_semaphore, #tpu.memory_space<semaphore_mem>>) src(%arg24 : memref<128x16xf32, #tpu.memory_space<vmem>>) dst(%dma_wait3A_241 : memref<128x16xf32, #tpu.memory_space<hbm>>)
      tpu.yield
    }) : () -> ()
    %mul3A_173 = arith.constant 512 : i32
    %mul3A_174 = arith.muli %add3A, %mul3A_173 : i32
    %add3A_175 = arith.constant 384 : i32
    %add3A_176 = arith.addi %mul3A_174, %add3A_175 : i32
    "tpu.region"() ({
      %run_scoped3A = tpu.sem_alloc : memref<!tpu.dma_semaphore, #tpu.memory_space<semaphore_mem>>
      %dma_start3A_234 = tpu.memref_slice %arg2[%add3A_176] : memref<16384xi32, #tpu.memory_space<hbm>> -> memref<128xi32, #tpu.memory_space<hbm>>
      %dma_start3A_235 = tpu.memref_slice %arg2[%add3A_176] : memref<16384xi32, #tpu.memory_space<hbm>> -> memref<128xi32, #tpu.memory_space<hbm>>
      tpu.enqueue_dma source(%dma_start3A_235 : memref<128xi32, #tpu.memory_space<hbm>>) target(%arg12 : memref<128xi32, #tpu.memory_space<vmem>>) target_semaphore(%run_scoped3A : memref<!tpu.dma_semaphore, #tpu.memory_space<semaphore_mem>>)
      %dma_wait3A_236 = tpu.memref_slice %arg2[%add3A_176] : memref<16384xi32, #tpu.memory_space<hbm>> -> memref<128xi32, #tpu.memory_space<hbm>>
      %dma_wait3A_237 = tpu.memref_slice %arg2[%add3A_176] : memref<16384xi32, #tpu.memory_space<hbm>> -> memref<128xi32, #tpu.memory_space<hbm>>
      tpu.wait_dma2 semaphore(%run_scoped3A : memref<!tpu.dma_semaphore, #tpu.memory_space<semaphore_mem>>) src(%dma_wait3A_237 : memref<128xi32, #tpu.memory_space<hbm>>) dst(%arg12 : memref<128xi32, #tpu.memory_space<vmem>>)
      tpu.yield
    }) : () -> ()
    "tpu.region"() ({
      %run_scoped3A = tpu.sem_alloc : memref<!tpu.dma_semaphore, #tpu.memory_space<semaphore_mem>>
      %dma_start3A_234 = tpu.memref_slice %arg3[%add3A_176] : memref<16384xi32, #tpu.memory_space<hbm>> -> memref<128xi32, #tpu.memory_space<hbm>>
      %dma_start3A_235 = tpu.memref_slice %arg3[%add3A_176] : memref<16384xi32, #tpu.memory_space<hbm>> -> memref<128xi32, #tpu.memory_space<hbm>>
      tpu.enqueue_dma source(%dma_start3A_235 : memref<128xi32, #tpu.memory_space<hbm>>) target(%arg13 : memref<128xi32, #tpu.memory_space<vmem>>) target_semaphore(%run_scoped3A : memref<!tpu.dma_semaphore, #tpu.memory_space<semaphore_mem>>)
      %dma_wait3A_236 = tpu.memref_slice %arg3[%add3A_176] : memref<16384xi32, #tpu.memory_space<hbm>> -> memref<128xi32, #tpu.memory_space<hbm>>
      %dma_wait3A_237 = tpu.memref_slice %arg3[%add3A_176] : memref<16384xi32, #tpu.memory_space<hbm>> -> memref<128xi32, #tpu.memory_space<hbm>>
      tpu.wait_dma2 semaphore(%run_scoped3A : memref<!tpu.dma_semaphore, #tpu.memory_space<semaphore_mem>>) src(%dma_wait3A_237 : memref<128xi32, #tpu.memory_space<hbm>>) dst(%arg13 : memref<128xi32, #tpu.memory_space<vmem>>)
      tpu.yield
    }) : () -> ()
    "tpu.region"() ({
      %run_scoped3A = tpu.sem_alloc : memref<!tpu.dma_semaphore, #tpu.memory_space<semaphore_mem>>
      %dma_start3A_234 = tpu.memref_slice %arg4[%add3A_176] : memref<16384xi32, #tpu.memory_space<hbm>> -> memref<128xi32, #tpu.memory_space<hbm>>
      %dma_start3A_235 = tpu.memref_slice %arg4[%add3A_176] : memref<16384xi32, #tpu.memory_space<hbm>> -> memref<128xi32, #tpu.memory_space<hbm>>
      tpu.enqueue_dma source(%dma_start3A_235 : memref<128xi32, #tpu.memory_space<hbm>>) target(%arg14 : memref<128xi32, #tpu.memory_space<vmem>>) target_semaphore(%run_scoped3A : memref<!tpu.dma_semaphore, #tpu.memory_space<semaphore_mem>>)
      %dma_wait3A_236 = tpu.memref_slice %arg4[%add3A_176] : memref<16384xi32, #tpu.memory_space<hbm>> -> memref<128xi32, #tpu.memory_space<hbm>>
      %dma_wait3A_237 = tpu.memref_slice %arg4[%add3A_176] : memref<16384xi32, #tpu.memory_space<hbm>> -> memref<128xi32, #tpu.memory_space<hbm>>
      tpu.wait_dma2 semaphore(%run_scoped3A : memref<!tpu.dma_semaphore, #tpu.memory_space<semaphore_mem>>) src(%dma_wait3A_237 : memref<128xi32, #tpu.memory_space<hbm>>) dst(%arg14 : memref<128xi32, #tpu.memory_space<vmem>>)
      tpu.yield
    }) : () -> ()
    "tpu.region"() ({
      %run_scoped3A = tpu.sem_alloc : memref<!tpu.dma_semaphore, #tpu.memory_space<semaphore_mem>>
      %dma_start3A_234 = tpu.memref_slice %arg5[%add3A_176] : memref<16384xi32, #tpu.memory_space<hbm>> -> memref<128xi32, #tpu.memory_space<hbm>>
      %dma_start3A_235 = tpu.memref_slice %arg5[%add3A_176] : memref<16384xi32, #tpu.memory_space<hbm>> -> memref<128xi32, #tpu.memory_space<hbm>>
      tpu.enqueue_dma source(%dma_start3A_235 : memref<128xi32, #tpu.memory_space<hbm>>) target(%arg15 : memref<128xi32, #tpu.memory_space<vmem>>) target_semaphore(%run_scoped3A : memref<!tpu.dma_semaphore, #tpu.memory_space<semaphore_mem>>)
      %dma_wait3A_236 = tpu.memref_slice %arg5[%add3A_176] : memref<16384xi32, #tpu.memory_space<hbm>> -> memref<128xi32, #tpu.memory_space<hbm>>
      %dma_wait3A_237 = tpu.memref_slice %arg5[%add3A_176] : memref<16384xi32, #tpu.memory_space<hbm>> -> memref<128xi32, #tpu.memory_space<hbm>>
      tpu.wait_dma2 semaphore(%run_scoped3A : memref<!tpu.dma_semaphore, #tpu.memory_space<semaphore_mem>>) src(%dma_wait3A_237 : memref<128xi32, #tpu.memory_space<hbm>>) dst(%arg15 : memref<128xi32, #tpu.memory_space<vmem>>)
      tpu.yield
    }) : () -> ()
    %dma_start3A_177 = arith.constant 0 : i32
    %dma_start3A_178 = arith.constant 0 : i32
    %dma_start3A_179 = tpu.memref_slice %arg6[%dma_start3A_177, %dma_start3A_178] : memref<1000000x32xf32, #tpu.memory_space<hbm>> -> memref<1000000x32xf32, #tpu.memory_space<hbm>>
    tpu.enqueue_indirect_dma source(%dma_start3A_179 : memref<1000000x32xf32, #tpu.memory_space<hbm>>) target(%arg16 : memref<128x32xf32, #tpu.memory_space<vmem>>) offsets(%arg12 : memref<128xi32, #tpu.memory_space<vmem>>) semaphore(%arg26 : memref<!tpu.dma_semaphore, #tpu.memory_space<semaphore_mem>>)
    %dma_start3A_180 = arith.constant 0 : i32
    %dma_start3A_181 = arith.constant 0 : i32
    %dma_start3A_182 = tpu.memref_slice %arg7[%dma_start3A_180, %dma_start3A_181] : memref<1000000x32xf32, #tpu.memory_space<hbm>> -> memref<1000000x32xf32, #tpu.memory_space<hbm>>
    tpu.enqueue_indirect_dma source(%dma_start3A_182 : memref<1000000x32xf32, #tpu.memory_space<hbm>>) target(%arg17 : memref<128x32xf32, #tpu.memory_space<vmem>>) offsets(%arg12 : memref<128xi32, #tpu.memory_space<vmem>>) semaphore(%arg26 : memref<!tpu.dma_semaphore, #tpu.memory_space<semaphore_mem>>)
    %dma_start3A_183 = arith.constant 0 : i32
    %dma_start3A_184 = arith.constant 0 : i32
    %dma_start3A_185 = tpu.memref_slice %arg6[%dma_start3A_183, %dma_start3A_184] : memref<1000000x32xf32, #tpu.memory_space<hbm>> -> memref<1000000x32xf32, #tpu.memory_space<hbm>>
    tpu.enqueue_indirect_dma source(%dma_start3A_185 : memref<1000000x32xf32, #tpu.memory_space<hbm>>) target(%arg18 : memref<128x32xf32, #tpu.memory_space<vmem>>) offsets(%arg14 : memref<128xi32, #tpu.memory_space<vmem>>) semaphore(%arg26 : memref<!tpu.dma_semaphore, #tpu.memory_space<semaphore_mem>>)
    %dma_start3A_186 = arith.constant 0 : i32
    %dma_start3A_187 = arith.constant 0 : i32
    %dma_start3A_188 = tpu.memref_slice %arg7[%dma_start3A_186, %dma_start3A_187] : memref<1000000x32xf32, #tpu.memory_space<hbm>> -> memref<1000000x32xf32, #tpu.memory_space<hbm>>
    tpu.enqueue_indirect_dma source(%dma_start3A_188 : memref<1000000x32xf32, #tpu.memory_space<hbm>>) target(%arg19 : memref<128x32xf32, #tpu.memory_space<vmem>>) offsets(%arg14 : memref<128xi32, #tpu.memory_space<vmem>>) semaphore(%arg26 : memref<!tpu.dma_semaphore, #tpu.memory_space<semaphore_mem>>)
    %dma_start3A_189 = arith.constant 0 : i32
    %dma_start3A_190 = arith.constant 0 : i32
    %dma_start3A_191 = tpu.memref_slice %arg6[%dma_start3A_189, %dma_start3A_190] : memref<1000000x32xf32, #tpu.memory_space<hbm>> -> memref<1000000x32xf32, #tpu.memory_space<hbm>>
    tpu.enqueue_indirect_dma source(%dma_start3A_191 : memref<1000000x32xf32, #tpu.memory_space<hbm>>) target(%arg20 : memref<128x32xf32, #tpu.memory_space<vmem>>) offsets(%arg15 : memref<128xi32, #tpu.memory_space<vmem>>) semaphore(%arg26 : memref<!tpu.dma_semaphore, #tpu.memory_space<semaphore_mem>>)
    %dma_start3A_192 = arith.constant 0 : i32
    %dma_start3A_193 = arith.constant 0 : i32
    %dma_start3A_194 = tpu.memref_slice %arg7[%dma_start3A_192, %dma_start3A_193] : memref<1000000x32xf32, #tpu.memory_space<hbm>> -> memref<1000000x32xf32, #tpu.memory_space<hbm>>
    tpu.enqueue_indirect_dma source(%dma_start3A_194 : memref<1000000x32xf32, #tpu.memory_space<hbm>>) target(%arg21 : memref<128x32xf32, #tpu.memory_space<vmem>>) offsets(%arg15 : memref<128xi32, #tpu.memory_space<vmem>>) semaphore(%arg26 : memref<!tpu.dma_semaphore, #tpu.memory_space<semaphore_mem>>)
    %dma_start3A_195 = arith.constant 0 : i32
    %dma_start3A_196 = arith.constant 0 : i32
    %dma_start3A_197 = tpu.memref_slice %arg8[%dma_start3A_195, %dma_start3A_196] : memref<1000x32xf32, #tpu.memory_space<hbm>> -> memref<1000x32xf32, #tpu.memory_space<hbm>>
    tpu.enqueue_indirect_dma source(%dma_start3A_197 : memref<1000x32xf32, #tpu.memory_space<hbm>>) target(%arg22 : memref<128x32xf32, #tpu.memory_space<vmem>>) offsets(%arg13 : memref<128xi32, #tpu.memory_space<vmem>>) semaphore(%arg26 : memref<!tpu.dma_semaphore, #tpu.memory_space<semaphore_mem>>)
    %dma_start3A_198 = arith.constant 0 : i32
    %dma_start3A_199 = arith.constant 0 : i32
    %dma_start3A_200 = tpu.memref_slice %arg9[%dma_start3A_198, %dma_start3A_199] : memref<1000x32xf32, #tpu.memory_space<hbm>> -> memref<1000x32xf32, #tpu.memory_space<hbm>>
    tpu.enqueue_indirect_dma source(%dma_start3A_200 : memref<1000x32xf32, #tpu.memory_space<hbm>>) target(%arg23 : memref<128x32xf32, #tpu.memory_space<vmem>>) offsets(%arg13 : memref<128xi32, #tpu.memory_space<vmem>>) semaphore(%arg26 : memref<!tpu.dma_semaphore, #tpu.memory_space<semaphore_mem>>)
    %dma_wait3A_201 = arith.constant 0 : i32
    %dma_wait3A_202 = arith.constant 0 : i32
    %dma_wait3A_203 = tpu.memref_slice %arg6[%dma_wait3A_201, %dma_wait3A_202] : memref<1000000x32xf32, #tpu.memory_space<hbm>> -> memref<1000000x32xf32, #tpu.memory_space<hbm>>
    tpu.wait_indirect_dma semaphore(%arg26 : memref<!tpu.dma_semaphore, #tpu.memory_space<semaphore_mem>>) src(%dma_wait3A_203 : memref<1000000x32xf32, #tpu.memory_space<hbm>>) dst(%arg16 : memref<128x32xf32, #tpu.memory_space<vmem>>)
    %dma_wait3A_204 = arith.constant 0 : i32
    %dma_wait3A_205 = arith.constant 0 : i32
    %dma_wait3A_206 = tpu.memref_slice %arg7[%dma_wait3A_204, %dma_wait3A_205] : memref<1000000x32xf32, #tpu.memory_space<hbm>> -> memref<1000000x32xf32, #tpu.memory_space<hbm>>
    tpu.wait_indirect_dma semaphore(%arg26 : memref<!tpu.dma_semaphore, #tpu.memory_space<semaphore_mem>>) src(%dma_wait3A_206 : memref<1000000x32xf32, #tpu.memory_space<hbm>>) dst(%arg17 : memref<128x32xf32, #tpu.memory_space<vmem>>)
    %dma_wait3A_207 = arith.constant 0 : i32
    %dma_wait3A_208 = arith.constant 0 : i32
    %dma_wait3A_209 = tpu.memref_slice %arg6[%dma_wait3A_207, %dma_wait3A_208] : memref<1000000x32xf32, #tpu.memory_space<hbm>> -> memref<1000000x32xf32, #tpu.memory_space<hbm>>
    tpu.wait_indirect_dma semaphore(%arg26 : memref<!tpu.dma_semaphore, #tpu.memory_space<semaphore_mem>>) src(%dma_wait3A_209 : memref<1000000x32xf32, #tpu.memory_space<hbm>>) dst(%arg18 : memref<128x32xf32, #tpu.memory_space<vmem>>)
    %dma_wait3A_210 = arith.constant 0 : i32
    %dma_wait3A_211 = arith.constant 0 : i32
    %dma_wait3A_212 = tpu.memref_slice %arg7[%dma_wait3A_210, %dma_wait3A_211] : memref<1000000x32xf32, #tpu.memory_space<hbm>> -> memref<1000000x32xf32, #tpu.memory_space<hbm>>
    tpu.wait_indirect_dma semaphore(%arg26 : memref<!tpu.dma_semaphore, #tpu.memory_space<semaphore_mem>>) src(%dma_wait3A_212 : memref<1000000x32xf32, #tpu.memory_space<hbm>>) dst(%arg19 : memref<128x32xf32, #tpu.memory_space<vmem>>)
    %dma_wait3A_213 = arith.constant 0 : i32
    %dma_wait3A_214 = arith.constant 0 : i32
    %dma_wait3A_215 = tpu.memref_slice %arg6[%dma_wait3A_213, %dma_wait3A_214] : memref<1000000x32xf32, #tpu.memory_space<hbm>> -> memref<1000000x32xf32, #tpu.memory_space<hbm>>
    tpu.wait_indirect_dma semaphore(%arg26 : memref<!tpu.dma_semaphore, #tpu.memory_space<semaphore_mem>>) src(%dma_wait3A_215 : memref<1000000x32xf32, #tpu.memory_space<hbm>>) dst(%arg20 : memref<128x32xf32, #tpu.memory_space<vmem>>)
    %dma_wait3A_216 = arith.constant 0 : i32
    %dma_wait3A_217 = arith.constant 0 : i32
    %dma_wait3A_218 = tpu.memref_slice %arg7[%dma_wait3A_216, %dma_wait3A_217] : memref<1000000x32xf32, #tpu.memory_space<hbm>> -> memref<1000000x32xf32, #tpu.memory_space<hbm>>
    tpu.wait_indirect_dma semaphore(%arg26 : memref<!tpu.dma_semaphore, #tpu.memory_space<semaphore_mem>>) src(%dma_wait3A_218 : memref<1000000x32xf32, #tpu.memory_space<hbm>>) dst(%arg21 : memref<128x32xf32, #tpu.memory_space<vmem>>)
    %dma_wait3A_219 = arith.constant 0 : i32
    %dma_wait3A_220 = arith.constant 0 : i32
    %dma_wait3A_221 = tpu.memref_slice %arg8[%dma_wait3A_219, %dma_wait3A_220] : memref<1000x32xf32, #tpu.memory_space<hbm>> -> memref<1000x32xf32, #tpu.memory_space<hbm>>
    tpu.wait_indirect_dma semaphore(%arg26 : memref<!tpu.dma_semaphore, #tpu.memory_space<semaphore_mem>>) src(%dma_wait3A_221 : memref<1000x32xf32, #tpu.memory_space<hbm>>) dst(%arg22 : memref<128x32xf32, #tpu.memory_space<vmem>>)
    %dma_wait3A_222 = arith.constant 0 : i32
    %dma_wait3A_223 = arith.constant 0 : i32
    %dma_wait3A_224 = tpu.memref_slice %arg9[%dma_wait3A_222, %dma_wait3A_223] : memref<1000x32xf32, #tpu.memory_space<hbm>> -> memref<1000x32xf32, #tpu.memory_space<hbm>>
    tpu.wait_indirect_dma semaphore(%arg26 : memref<!tpu.dma_semaphore, #tpu.memory_space<semaphore_mem>>) src(%dma_wait3A_224 : memref<1000x32xf32, #tpu.memory_space<hbm>>) dst(%arg23 : memref<128x32xf32, #tpu.memory_space<vmem>>)
    %scan3A_225 = arith.constant 0 : i32
    %scan3A_226 = arith.constant 128 : i32
    %scan3A_227 = arith.addi %scan3A_225, %scan3A_226 : i32
    %scan3A_228 = arith.constant 1 : i32
    %scan3A_229 = scf.for %scan3A_234 = %scan3A_225 to %scan3A_227 step %scan3A_228 iter_args(%scan3A_235 = %scan3A_171) -> (vector<16xf32>)  : i32 {
      %get3A = arith.index_cast %scan3A_234 : i32 to index
      %get3A_236 = arith.constant 0 : index
      %get3A_237 = tpu.vector_load %arg16[%get3A, %get3A_236] {strides = array<i32>} : memref<128x32xf32, #tpu.memory_space<vmem>>, vector<1x16xf32>,
      %get3A_238 = vector.shape_cast %get3A_237 : vector<1x16xf32> to vector<16xf32>
      %get3A_239 = arith.index_cast %scan3A_234 : i32 to index
      %get3A_240 = arith.constant 16 : index
      %get3A_241 = tpu.vector_load %arg16[%get3A_239, %get3A_240] {strides = array<i32>} : memref<128x32xf32, #tpu.memory_space<vmem>>, vector<1x16xf32>,
      %get3A_242 = vector.shape_cast %get3A_241 : vector<1x16xf32> to vector<16xf32>
      %get3A_243 = arith.index_cast %scan3A_234 : i32 to index
      %get3A_244 = arith.constant 0 : index
      %get3A_245 = tpu.vector_load %arg17[%get3A_243, %get3A_244] {strides = array<i32>} : memref<128x32xf32, #tpu.memory_space<vmem>>, vector<1x16xf32>,
      %get3A_246 = vector.shape_cast %get3A_245 : vector<1x16xf32> to vector<16xf32>
      %get3A_247 = arith.index_cast %scan3A_234 : i32 to index
      %get3A_248 = arith.constant 16 : index
      %get3A_249 = tpu.vector_load %arg17[%get3A_247, %get3A_248] {strides = array<i32>} : memref<128x32xf32, #tpu.memory_space<vmem>>, vector<1x16xf32>,
      %get3A_250 = vector.shape_cast %get3A_249 : vector<1x16xf32> to vector<16xf32>
      %get3A_251 = arith.index_cast %scan3A_234 : i32 to index
      %get3A_252 = arith.constant 0 : index
      %get3A_253 = tpu.vector_load %arg22[%get3A_251, %get3A_252] {strides = array<i32>} : memref<128x32xf32, #tpu.memory_space<vmem>>, vector<1x16xf32>,
      %get3A_254 = vector.shape_cast %get3A_253 : vector<1x16xf32> to vector<16xf32>
      %get3A_255 = arith.index_cast %scan3A_234 : i32 to index
      %get3A_256 = arith.constant 16 : index
      %get3A_257 = tpu.vector_load %arg22[%get3A_255, %get3A_256] {strides = array<i32>} : memref<128x32xf32, #tpu.memory_space<vmem>>, vector<1x16xf32>,
      %get3A_258 = vector.shape_cast %get3A_257 : vector<1x16xf32> to vector<16xf32>
      %get3A_259 = arith.index_cast %scan3A_234 : i32 to index
      %get3A_260 = arith.constant 0 : index
      %get3A_261 = tpu.vector_load %arg23[%get3A_259, %get3A_260] {strides = array<i32>} : memref<128x32xf32, #tpu.memory_space<vmem>>, vector<1x16xf32>,
      %get3A_262 = vector.shape_cast %get3A_261 : vector<1x16xf32> to vector<16xf32>
      %get3A_263 = arith.index_cast %scan3A_234 : i32 to index
      %get3A_264 = arith.constant 16 : index
      %get3A_265 = tpu.vector_load %arg23[%get3A_263, %get3A_264] {strides = array<i32>} : memref<128x32xf32, #tpu.memory_space<vmem>>, vector<1x16xf32>,
      %get3A_266 = vector.shape_cast %get3A_265 : vector<1x16xf32> to vector<16xf32>
      %get3A_267 = arith.index_cast %scan3A_234 : i32 to index
      %get3A_268 = arith.constant 0 : index
      %get3A_269 = tpu.vector_load %arg18[%get3A_267, %get3A_268] {strides = array<i32>} : memref<128x32xf32, #tpu.memory_space<vmem>>, vector<1x16xf32>,
      %get3A_270 = vector.shape_cast %get3A_269 : vector<1x16xf32> to vector<16xf32>
      %get3A_271 = arith.index_cast %scan3A_234 : i32 to index
      %get3A_272 = arith.constant 16 : index
      %get3A_273 = tpu.vector_load %arg18[%get3A_271, %get3A_272] {strides = array<i32>} : memref<128x32xf32, #tpu.memory_space<vmem>>, vector<1x16xf32>,
      %get3A_274 = vector.shape_cast %get3A_273 : vector<1x16xf32> to vector<16xf32>
      %get3A_275 = arith.index_cast %scan3A_234 : i32 to index
      %get3A_276 = arith.constant 0 : index
      %get3A_277 = tpu.vector_load %arg19[%get3A_275, %get3A_276] {strides = array<i32>} : memref<128x32xf32, #tpu.memory_space<vmem>>, vector<1x16xf32>,
      %get3A_278 = vector.shape_cast %get3A_277 : vector<1x16xf32> to vector<16xf32>
      %get3A_279 = arith.index_cast %scan3A_234 : i32 to index
      %get3A_280 = arith.constant 16 : index
      %get3A_281 = tpu.vector_load %arg19[%get3A_279, %get3A_280] {strides = array<i32>} : memref<128x32xf32, #tpu.memory_space<vmem>>, vector<1x16xf32>,
      %get3A_282 = vector.shape_cast %get3A_281 : vector<1x16xf32> to vector<16xf32>
      %get3A_283 = arith.index_cast %scan3A_234 : i32 to index
      %get3A_284 = arith.constant 0 : index
      %get3A_285 = tpu.vector_load %arg20[%get3A_283, %get3A_284] {strides = array<i32>} : memref<128x32xf32, #tpu.memory_space<vmem>>, vector<1x16xf32>,
      %get3A_286 = vector.shape_cast %get3A_285 : vector<1x16xf32> to vector<16xf32>
      %get3A_287 = arith.index_cast %scan3A_234 : i32 to index
      %get3A_288 = arith.constant 16 : index
      %get3A_289 = tpu.vector_load %arg20[%get3A_287, %get3A_288] {strides = array<i32>} : memref<128x32xf32, #tpu.memory_space<vmem>>, vector<1x16xf32>,
      %get3A_290 = vector.shape_cast %get3A_289 : vector<1x16xf32> to vector<16xf32>
      %get3A_291 = arith.index_cast %scan3A_234 : i32 to index
      %get3A_292 = arith.constant 0 : index
      %get3A_293 = tpu.vector_load %arg21[%get3A_291, %get3A_292] {strides = array<i32>} : memref<128x32xf32, #tpu.memory_space<vmem>>, vector<1x16xf32>,
      %get3A_294 = vector.shape_cast %get3A_293 : vector<1x16xf32> to vector<16xf32>
      %get3A_295 = arith.index_cast %scan3A_234 : i32 to index
      %get3A_296 = arith.constant 16 : index
      %get3A_297 = tpu.vector_load %arg21[%get3A_295, %get3A_296] {strides = array<i32>} : memref<128x32xf32, #tpu.memory_space<vmem>>, vector<1x16xf32>,
      %get3A_298 = vector.shape_cast %get3A_297 : vector<1x16xf32> to vector<16xf32>
      %mul3A_299 = arith.mulf %get3A_238, %get3A_254 : vector<16xf32>
      %mul3A_300 = arith.mulf %get3A_246, %get3A_262 : vector<16xf32>
      %sub3A = arith.subf %mul3A_299, %mul3A_300 : vector<16xf32>
      %mul3A_301 = arith.mulf %get3A_242, %get3A_258 : vector<16xf32>
      %mul3A_302 = arith.mulf %get3A_250, %get3A_266 : vector<16xf32>
      %sub3A_303 = arith.subf %mul3A_301, %mul3A_302 : vector<16xf32>
      %mul3A_304 = arith.mulf %get3A_246, %get3A_254 : vector<16xf32>
      %mul3A_305 = arith.mulf %get3A_238, %get3A_262 : vector<16xf32>
      %add3A_306 = arith.addf %mul3A_304, %mul3A_305 : vector<16xf32>
      %mul3A_307 = arith.mulf %get3A_250, %get3A_258 : vector<16xf32>
      %mul3A_308 = arith.mulf %get3A_242, %get3A_266 : vector<16xf32>
      %add3A_309 = arith.addf %mul3A_307, %mul3A_308 : vector<16xf32>
      %sub3A_310 = arith.subf %get3A_286, %get3A_270 : vector<16xf32>
      %mul3A_311 = arith.mulf %sub3A, %sub3A_310 : vector<16xf32>
      %sub3A_312 = arith.subf %get3A_294, %get3A_278 : vector<16xf32>
      %mul3A_313 = arith.mulf %add3A_306, %sub3A_312 : vector<16xf32>
      %add3A_314 = arith.addf %mul3A_311, %mul3A_313 : vector<16xf32>
      %sub3A_315 = arith.subf %get3A_290, %get3A_274 : vector<16xf32>
      %mul3A_316 = arith.mulf %sub3A_303, %sub3A_315 : vector<16xf32>
      %sub3A_317 = arith.subf %get3A_298, %get3A_282 : vector<16xf32>
      %mul3A_318 = arith.mulf %add3A_309, %sub3A_317 : vector<16xf32>
      %add3A_319 = arith.addf %mul3A_316, %mul3A_318 : vector<16xf32>
      %add3A_320 = arith.addf %add3A_314, %add3A_319 : vector<16xf32>
      %swap3A_321 = arith.index_cast %scan3A_234 : i32 to index
      %swap3A_322 = arith.constant 0 : index
      %swap3A_323 = tpu.vector_load %arg24[%swap3A_321, %swap3A_322] {strides = array<i32>} : memref<128x16xf32, #tpu.memory_space<vmem>>, vector<1x16xf32>,
      %swap3A_324 = vector.shape_cast %swap3A_323 : vector<1x16xf32> to vector<16xf32>
      %swap3A_325 = vector.shape_cast %add3A_320 : vector<16xf32> to vector<1x16xf32>
      tpu.vector_store %arg24[%swap3A_321, %swap3A_322], %swap3A_325 {strides = array<i32>} : memref<128x16xf32, #tpu.memory_space<vmem>>, vector<1x16xf32>,
      %mul3A_326 = arith.mulf %get3A_238, %get3A_238 : vector<16xf32>
      %mul3A_327 = arith.mulf %get3A_242, %get3A_242 : vector<16xf32>
      %add3A_328 = arith.addf %mul3A_326, %mul3A_327 : vector<16xf32>
      %mul3A_329 = arith.mulf %get3A_246, %get3A_246 : vector<16xf32>
      %add3A_330 = arith.addf %add3A_328, %mul3A_329 : vector<16xf32>
      %mul3A_331 = arith.mulf %get3A_250, %get3A_250 : vector<16xf32>
      %add3A_332 = arith.addf %add3A_330, %mul3A_331 : vector<16xf32>
      %mul3A_333 = arith.mulf %get3A_270, %get3A_270 : vector<16xf32>
      %add3A_334 = arith.addf %add3A_332, %mul3A_333 : vector<16xf32>
      %mul3A_335 = arith.mulf %get3A_274, %get3A_274 : vector<16xf32>
      %add3A_336 = arith.addf %add3A_334, %mul3A_335 : vector<16xf32>
      %mul3A_337 = arith.mulf %get3A_278, %get3A_278 : vector<16xf32>
      %add3A_338 = arith.addf %add3A_336, %mul3A_337 : vector<16xf32>
      %mul3A_339 = arith.mulf %get3A_282, %get3A_282 : vector<16xf32>
      %add3A_340 = arith.addf %add3A_338, %mul3A_339 : vector<16xf32>
      %mul3A_341 = arith.mulf %get3A_286, %get3A_286 : vector<16xf32>
      %add3A_342 = arith.addf %add3A_340, %mul3A_341 : vector<16xf32>
      %mul3A_343 = arith.mulf %get3A_290, %get3A_290 : vector<16xf32>
      %add3A_344 = arith.addf %add3A_342, %mul3A_343 : vector<16xf32>
      %mul3A_345 = arith.mulf %get3A_294, %get3A_294 : vector<16xf32>
      %add3A_346 = arith.addf %add3A_344, %mul3A_345 : vector<16xf32>
      %mul3A_347 = arith.mulf %get3A_298, %get3A_298 : vector<16xf32>
      %add3A_348 = arith.addf %add3A_346, %mul3A_347 : vector<16xf32>
      %mul3A_349 = arith.mulf %get3A_254, %get3A_254 : vector<16xf32>
      %add3A_350 = arith.addf %add3A_348, %mul3A_349 : vector<16xf32>
      %mul3A_351 = arith.mulf %get3A_258, %get3A_258 : vector<16xf32>
      %add3A_352 = arith.addf %add3A_350, %mul3A_351 : vector<16xf32>
      %mul3A_353 = arith.mulf %get3A_262, %get3A_262 : vector<16xf32>
      %add3A_354 = arith.addf %add3A_352, %mul3A_353 : vector<16xf32>
      %mul3A_355 = arith.mulf %get3A_266, %get3A_266 : vector<16xf32>
      %add3A_356 = arith.addf %add3A_354, %mul3A_355 : vector<16xf32>
      %add3A_357 = arith.addf %scan3A_235, %add3A_356 : vector<16xf32>
      scf.yield %add3A_357 : vector<16xf32>
    }
    %scan3A_230 = arith.constant 128 : i32
    "tpu.region"() ({
      %run_scoped3A = tpu.sem_alloc : memref<!tpu.dma_semaphore, #tpu.memory_space<semaphore_mem>>
      %dma_start3A_234 = arith.constant 0 : i32
      %dma_start3A_235 = tpu.memref_slice %arg10[%add3A_176, %dma_start3A_234] : memref<16384x16xf32, #tpu.memory_space<hbm>> -> memref<128x16xf32, #tpu.memory_space<hbm>>
      %dma_start3A_236 = arith.constant 0 : i32
      %dma_start3A_237 = tpu.memref_slice %arg10[%add3A_176, %dma_start3A_236] : memref<16384x16xf32, #tpu.memory_space<hbm>> -> memref<128x16xf32, #tpu.memory_space<hbm>>
      tpu.enqueue_dma source(%arg24 : memref<128x16xf32, #tpu.memory_space<vmem>>) target(%dma_start3A_237 : memref<128x16xf32, #tpu.memory_space<hbm>>) target_semaphore(%run_scoped3A : memref<!tpu.dma_semaphore, #tpu.memory_space<semaphore_mem>>)
      %dma_wait3A_238 = arith.constant 0 : i32
      %dma_wait3A_239 = tpu.memref_slice %arg10[%add3A_176, %dma_wait3A_238] : memref<16384x16xf32, #tpu.memory_space<hbm>> -> memref<128x16xf32, #tpu.memory_space<hbm>>
      %dma_wait3A_240 = arith.constant 0 : i32
      %dma_wait3A_241 = tpu.memref_slice %arg10[%add3A_176, %dma_wait3A_240] : memref<16384x16xf32, #tpu.memory_space<hbm>> -> memref<128x16xf32, #tpu.memory_space<hbm>>
      tpu.wait_dma2 semaphore(%run_scoped3A : memref<!tpu.dma_semaphore, #tpu.memory_space<semaphore_mem>>) src(%arg24 : memref<128x16xf32, #tpu.memory_space<vmem>>) dst(%dma_wait3A_241 : memref<128x16xf32, #tpu.memory_space<hbm>>)
      tpu.yield
    }) : () -> ()
    %swap3A = arith.constant 0 : index
    %swap3A_231 = tpu.vector_load %arg25[%swap3A] {strides = array<i32>} : memref<16xf32, #tpu.memory_space<vmem>>, vector<16xf32>,
    %swap3A_232 = vector.shape_cast %swap3A_231 : vector<16xf32> to vector<16xf32>
    %swap3A_233 = vector.shape_cast %scan3A_229 : vector<16xf32> to vector<16xf32>
    tpu.vector_store %arg25[%swap3A], %swap3A_233 {strides = array<i32>} : memref<16xf32, #tpu.memory_space<vmem>>, vector<16xf32>,
    "tpu.region"() ({
      %run_scoped3A = tpu.sem_alloc : memref<!tpu.dma_semaphore, #tpu.memory_space<semaphore_mem>>
      %dma_start3A_234 = arith.constant 0 : i32
      %dma_start3A_235 = tpu.memref_slice %arg11[%add3A, %dma_start3A_234] : memref<32x16xf32, #tpu.memory_space<hbm>> -> memref<1x16xf32, #tpu.memory_space<hbm>>
      %dma_start3A_236 = tpu.memref_squeeze %dma_start3A_235 : memref<1x16xf32, #tpu.memory_space<hbm>> -> memref<16xf32, #tpu.memory_space<hbm>>
      %dma_start3A_237 = arith.constant 0 : i32
      %dma_start3A_238 = tpu.memref_slice %arg11[%add3A, %dma_start3A_237] : memref<32x16xf32, #tpu.memory_space<hbm>> -> memref<1x16xf32, #tpu.memory_space<hbm>>
      %dma_start3A_239 = tpu.memref_squeeze %dma_start3A_238 : memref<1x16xf32, #tpu.memory_space<hbm>> -> memref<16xf32, #tpu.memory_space<hbm>>
      tpu.enqueue_dma source(%arg25 : memref<16xf32, #tpu.memory_space<vmem>>) target(%dma_start3A_239 : memref<16xf32, #tpu.memory_space<hbm>>) target_semaphore(%run_scoped3A : memref<!tpu.dma_semaphore, #tpu.memory_space<semaphore_mem>>)
      %dma_wait3A_240 = arith.constant 0 : i32
      %dma_wait3A_241 = tpu.memref_slice %arg11[%add3A, %dma_wait3A_240] : memref<32x16xf32, #tpu.memory_space<hbm>> -> memref<1x16xf32, #tpu.memory_space<hbm>>
      %dma_wait3A_242 = tpu.memref_squeeze %dma_wait3A_241 : memref<1x16xf32, #tpu.memory_space<hbm>> -> memref<16xf32, #tpu.memory_space<hbm>>
      %dma_wait3A_243 = arith.constant 0 : i32
      %dma_wait3A_244 = tpu.memref_slice %arg11[%add3A, %dma_wait3A_243] : memref<32x16xf32, #tpu.memory_space<hbm>> -> memref<1x16xf32, #tpu.memory_space<hbm>>
      %dma_wait3A_245 = tpu.memref_squeeze %dma_wait3A_244 : memref<1x16xf32, #tpu.memory_space<hbm>> -> memref<16xf32, #tpu.memory_space<hbm>>
      tpu.wait_dma2 semaphore(%run_scoped3A : memref<!tpu.dma_semaphore, #tpu.memory_space<semaphore_mem>>) src(%arg25 : memref<16xf32, #tpu.memory_space<vmem>>) dst(%dma_wait3A_245 : memref<16xf32, #tpu.memory_space<hbm>>)
      tpu.yield
    }) : () -> ()
    return
  }
}

module attributes {stable_mosaic.version = 14 : i64} {
  func.func @_tc_body(%arg0: memref<16384x16xf32, #tpu.memory_space<vmem>>, %arg1: memref<32x16xf32, #tpu.memory_space<vmem>>, %arg2: memref<1x1xf32, #tpu.memory_space<smem>>) attributes {dimension_semantics = [], scalar_prefetch = 0 : i64, scratch_operands = 0 : i64, tpu.core_type = #tpu.core_type<tc>} {
    %get3A = arith.constant 0 : index
    %get3A_0 = arith.constant 0 : index
    %get3A_1 = vector.load %arg0[%get3A, %get3A_0] : memref<16384x16xf32, #tpu.memory_space<vmem>>, vector<16384x16xf32>
    %reduce_sum3A = arith.constant dense<0.000000e+00> : vector<16384xf32>
    %reduce_sum3A_2 = vector.multi_reduction <add>, %get3A_1, %reduce_sum3A [1] : vector<16384x16xf32> to vector<16384xf32>
    %broadcast_in_dim3A = vector.shape_cast %reduce_sum3A_2 : vector<16384xf32> to vector<16384x1xf32>
    %neg3A = arith.constant 0.000000e+00 : f32
    %neg3A_3 = vector.broadcast %neg3A : f32 to vector<16384x1xf32>
    %neg3A_4 = arith.subf %neg3A_3, %broadcast_in_dim3A : vector<16384x1xf32>
    %max3A = arith.constant 0.000000e+00 : f32
    %max3A_5 = vector.broadcast %max3A : f32 to vector<16384x1xf32>
    %max3A_6 = arith.maximumf %neg3A_4, %max3A_5 : vector<16384x1xf32>
    %abs3A = math.absf %broadcast_in_dim3A : vector<16384x1xf32>
    %neg3A_7 = arith.constant 0.000000e+00 : f32
    %neg3A_8 = vector.broadcast %neg3A_7 : f32 to vector<16384x1xf32>
    %neg3A_9 = arith.subf %neg3A_8, %abs3A : vector<16384x1xf32>
    %exp3A = math.exp %neg3A_9 : vector<16384x1xf32>
    %log1p3A = math.log1p %exp3A : vector<16384x1xf32>
    %add3A = arith.addf %max3A_6, %log1p3A : vector<16384x1xf32>
    %get3A_10 = arith.constant 0 : index
    %get3A_11 = arith.constant 0 : index
    %get3A_12 = vector.load %arg1[%get3A_10, %get3A_11] : memref<32x16xf32, #tpu.memory_space<vmem>>, vector<32x16xf32>
    %reduce_sum3A_13 = vector.shape_cast %get3A_12 : vector<32x16xf32> to vector<1x32x16xf32>
    %reduce_sum3A_14 = arith.constant dense<0.000000e+00> : vector<1xf32>
    %reduce_sum3A_15 = vector.multi_reduction <add>, %reduce_sum3A_13, %reduce_sum3A_14 [1, 2] : vector<1x32x16xf32> to vector<1xf32>
    %reduce_sum3A_16 = vector.shape_cast %reduce_sum3A_15 : vector<1xf32> to vector<1x1x1xf32>
    %reduce_sum3A_17 = vector.extract %reduce_sum3A_16[0, 0, 0] : f32 from vector<1x1x1xf32>
    %reduce_sum3A_18 = vector.shape_cast %add3A : vector<16384x1xf32> to vector<1x16384x1xf32>
    %reduce_sum3A_19 = arith.constant dense<0.000000e+00> : vector<1xf32>
    %reduce_sum3A_20 = vector.multi_reduction <add>, %reduce_sum3A_18, %reduce_sum3A_19 [1, 2] : vector<1x16384x1xf32> to vector<1xf32>
    %reduce_sum3A_21 = vector.shape_cast %reduce_sum3A_20 : vector<1xf32> to vector<1x1x1xf32>
    %reduce_sum3A_22 = vector.extract %reduce_sum3A_21[0, 0, 0] : f32 from vector<1x1x1xf32>
    %mul3A = arith.constant 6.10351563E-5 : f32
    %mul3A_23 = arith.mulf %reduce_sum3A_22, %mul3A : f32
    %mul3A_24 = arith.constant 3.05175774E-10 : f32
    %mul3A_25 = arith.mulf %reduce_sum3A_17, %mul3A_24 : f32
    %add3A_26 = arith.addf %mul3A_23, %mul3A_25 : f32
    %swap3A = arith.constant 0 : index
    %swap3A_27 = arith.constant 0 : index
    %swap3A_28 = memref.load %arg2[%swap3A, %swap3A_27] : memref<1x1xf32, #tpu.memory_space<smem>>
    memref.store %add3A_26, %arg2[%swap3A, %swap3A_27] : memref<1x1xf32, #tpu.memory_space<smem>>
    return
  }
}

</mosaic_0001>

<sc_bundles>
// kernel: kernel.4.cloned.1.call-start
scs
__scs_entry_jumppad:
0x0: {  	(pc) =	sbr.rel $0x88, $3  }
0x1: {  	(tag) =	ssettag $0x0;
	lr =	simm.s32 $0x1  }
0x2: {  	[smem:$0x3F99] =	sst lr;
	_ =	strace $0xD0000000  }
0x3: {  	_ = 	snop  }
0x4: {  	_ = 	snop  }
0x5: {  	_ = 	snop  }
0x6: {  	_ = 	snop  }
0x7: {  	_ = 	snop  }
__scs_overlays_trampoline_lowered:
0x8: {  	[smem:$0x3FA8] =	sst s0  }
0x9: {  	[smem:$0x3FA9] =	sst s1  }
0xa: {  	[smem:$0x3FAA] =	sst s2  }
0xb: {  	[smem:$0x3FAB] =	sst s3  }
0xc: {  	[smem:$0x3FAC] =	sst s4  }
0xd: {  	[smem:$0x3FAD] =	sst s5  }
0xe: {  	[smem:$0x3FAE] =	sst s6  }
0xf: {  	[smem:$0x3FAF] =	sst s7  }
0x10: {  	[smem:$0x3FB0] =	sst s8  }
0x11: {  	[smem:$0x3FB1] =	sst s9;
	s0 =	simm.s32 @!p0 $0x0  }
0x12: {  	s1 =	sld [smem:$0x3F97];
	s0 =	simm.s32 @p0 $0x1  }
0x13: {  	[smem:$0x3FB2] =	sst s0;
	s0 =	simm.s32 @!p1 $0x0  }
0x14: {  	s2 =	sld [smem:$0x3F96];
	s0 =	simm.s32 @p1 $0x1  }
0x15: {  	[smem:$0x3FB3] =	sst s0;
	s0 =	simm.s32 @!p2 $0x0  }
0x16: {  	s3 =	sld [smem:$0x3FDB];
	s0 =	simm.s32 @p2 $0x1  }
0x17: {  	s4 =	simm.s32 $0x1BF5;
	[smem:$0x3FB5] =	sst s0  }
0x18: {  	s0 =	sld [smem:$0x3F98];
	_ =	swait.ge [sflag:s4], $0x0  }
0x19: {  	s7 =	sld [smem:$0x3F99]  }
0x1a: {  	s8 =	sadd.s32 $0xFFFFE003, lr  }
0x1b: {  	s9 =	sadd.s32 $0xFFFFFEF7, lr;
	s5 =	simm.s32 $0xFFFFFFFF;
	p2 =	slt.u32 s8, $0xFFFFF086  }
0x1c: {  	p1 =	slt.u32 s9, $0xF7A;
	s5 =	simm.s32 @!p2 $0x0  }
0x1d: {  	s5 =	simm.s32 @p1 $0x1;
	p0 =	seq.s32 s7, s2  }
0x1e: {  	s7 =	smul.u32 @!p0 $0xF7A, s2;
	p2 =	seq.s32 @!p0 s5, $0x0  }
0x1f: {  	s9 =	smul.u32 $0xF7A, s1;
	s8 =	simm.s32 @!p0 $0x1BF5;
	p2 =	por !p2, p0  }
0x20: {  	[sflag:s8] =	ssyncset.s32 @!p0 $0xFFFFF086;
	s6 =	sadd.s32 @!p0 s3, s7;
	s7 =	simm.s32 @!p0 $0x108  }
0x21: {  	s3 =	sadd.s32 s3, s9;
	s6 =	sadd.s32 @!p0 $0x88, s6;
	s7 =	simm.s32 @p2 $0x1082  }
0x22: {  	[simem:s7], [sflag:s8] =	dma.local @!p0 [hbm:s6], $0xF7A  }
0x23: {  	s9 =	sor.u32 $0xD0000000, s2;
	s6 =	simm.s32 $0x108;
	_ =	swait.ge @!p0 [sflag:s8], $0x0  }
0x24: {  	s3 =	sadd.s32 $0x88, s3;
	s6 =	simm.s32 @!p1 $0x1082;
	[sflag:s4] =	ssyncset.s32 $0xFFFFF086  }
0x25: {  	[simem:s6], [sflag:s4] =	dma.local [hbm:s3], $0xF7A  }
0x26: {  	[smem:$0x3F99] =	sst s1;
	(tag) =	ssettag s2;
	_ =	strace s9  }
0x27: {  	s1 =	sld [smem:$0x3FA9]  }
0x28: {  	s2 =	sld [smem:$0x3FAA]  }
0x29: {  	s4 =	sld [smem:$0x3FAC]  }
0x2a: {  	p0 =	seq.s32 s5, $0x0;
	s5 =	sld [smem:$0x3FAD]  }
0x2b: {  	s6 =	sld [smem:$0x3FAE]  }
0x2c: {  	s7 =	sld [smem:$0x3FAF]  }
0x2d: {  	s3 =	simm.s32 $0x108;
	s8 =	sld [smem:$0x3FB0]  }
0x2e: {  	s3 =	simm.s32 @!p0 $0x1082;
	s9 =	sld [smem:$0x3FB1]  }
0x2f: {  	lr =	sadd.s32 s0, s3;
	s0 =	sld [smem:$0x3FA8]  }
0x30: {  	s3 =	sld [smem:$0x3FAB]  }
0x31: {  	[smem:$0x3FB4] =	sst s10  }
0x32: {  	s10 =	sld [smem:$0x3FB2];
	_ =	sdelay $0x3  }
0x33: {  	p0 =	seq.s32 s10, $0x1;
	s10 =	sld [smem:$0x3FB4];
	_ =	sdelay $0x3  }
0x34: {  	[smem:$0x3FB4] =	sst s10  }
0x35: {  	s10 =	sld [smem:$0x3FB3];
	_ =	sdelay $0x3  }
0x36: {  	p1 =	seq.s32 s10, $0x1;
	s10 =	sld [smem:$0x3FB4];
	_ =	sdelay $0x3  }
0x37: {  	[smem:$0x3FB4] =	sst s10  }
0x38: {  	s10 =	sld [smem:$0x3FB5]  }
0x39: {  	_ = 	snop;
	(pc) =	sbr.ind lr, $3  }
0x3a: {  	_ = 	snop  }
0x3b: {  	_ = 	snop  }
0x3c: {  	p2 =	seq.s32 s10, $0x1;
	s10 =	sld [smem:$0x3FB4]  }
0x3d: {  	_ =	shalt  }
0x3e: {  	_ =	shalt  }
0x3f: {  	_ =	shalt  }
0x40: {  	_ =	shalt  }
0x41: {  	_ =	shalt  }
0x42: {  	_ =	shalt  }
0x43: {  	_ =	shalt  }
0x44: {  	_ =	shalt  }
0x45: {  	_ =	shalt  }
0x46: {  	_ =	shalt  }
0x47: {  	_ =	shalt  }
0x48: {  	_ =	shalt  }
0x49: {  	_ =	shalt  }
0x4a: {  	_ =	shalt  }
0x4b: {  	_ =	shalt  }
0x4c: {  	_ =	shalt  }
0x4d: {  	_ =	shalt  }
0x4e: {  	_ =	shalt  }
0x4f: {  	_ =	shalt  }
0x50: {  	_ =	shalt  }
0x51: {  	_ =	shalt  }
0x52: {  	_ =	shalt  }
0x53: {  	_ =	shalt  }
0x54: {  	_ =	shalt  }
0x55: {  	_ =	shalt  }
0x56: {  	_ =	shalt  }
0x57: {  	_ =	shalt  }
0x58: {  	_ =	shalt  }
0x59: {  	_ =	shalt  }
0x5a: {  	_ =	shalt  }
0x5b: {  	_ =	shalt  }
0x5c: {  	_ =	shalt  }
0x5d: {  	_ =	shalt  }
0x5e: {  	_ =	shalt  }
0x5f: {  	_ =	shalt  }
0x60: {  	_ =	shalt  }
0x61: {  	_ =	shalt  }
0x62: {  	_ =	shalt  }
0x63: {  	_ =	shalt  }
0x64: {  	_ =	shalt  }
0x65: {  	_ =	shalt  }
0x66: {  	_ =	shalt  }
0x67: {  	_ =	shalt  }
0x68: {  	_ =	shalt  }
0x69: {  	_ =	shalt  }
0x6a: {  	_ =	shalt  }
0x6b: {  	_ =	shalt  }
0x6c: {  	_ =	shalt  }
0x6d: {  	_ =	shalt  }
0x6e: {  	_ =	shalt  }
0x6f: {  	_ =	shalt  }
0x70: {  	_ =	shalt  }
0x71: {  	_ =	shalt  }
0x72: {  	_ =	shalt  }
0x73: {  	_ =	shalt  }
0x74: {  	_ =	shalt  }
0x75: {  	_ =	shalt  }
0x76: {  	_ =	shalt  }
0x77: {  	_ =	shalt  }
0x78: {  	_ =	shalt  }
0x79: {  	_ =	shalt  }
0x7a: {  	_ =	shalt  }
0x7b: {  	_ =	shalt  }
0x7c: {  	_ =	shalt  }
0x7d: {  	_ =	shalt  }
0x7e: {  	_ =	shalt  }
0x7f: {  	_ =	shalt  }
0x80: {  	_ =	shalt  }
0x81: {  	_ =	shalt  }
0x82: {  	_ =	shalt  }
0x83: {  	_ =	shalt  }
0x84: {  	_ =	shalt  }
0x85: {  	_ =	shalt  }
0x86: {  	_ =	shalt  }
0x87: {  	_ =	shalt  }
.Lfunc_end0:
.L_simem_size_0:
called_computation_lowered:
.L_overlay_start_0:
0x88: {  	s2 =	sld [smem:$0x3FD9]  }
0x89: {  	s3 =	sld [smem:$0x3FFE];
	_ =	sdelay $0x1  }
0x8a: {  	s1 =	srdreg.scid  }
0x8b: {  	s0 =	sand.u32 $0x1, s1  }
0x8c: {  	s17 =	sshll.u32 s0, $0xA;
	s2 =	sadd.s32 s3, s2  }
0x8d: {  	s2 =	sadd.s32 s2, s17  }
0x8e: {  	[smem:$0x3FC0] =	sst s2  }
0x8f: {  	_ = 	snop  }
0x90: {  	s2 =	sld [smem:$0x3FC9]  }
0x91: {  	s18 =	sld [smem:$0x3FC8]  }
0x92: {  	s4 =	sld [smem:$0x3FC7]  }
0x93: {  	s5 =	sld [smem:$0x3FC6];
	(tm) =	ssettm $0x1  }
0x94: {  	s6 =	sld [smem:$0x3FFB];
	_ =	sdelay $0x3  }
0x95: {  	_ =	strace s6  }
0x96: {  	s6 =	sld [smem:$0x3FFC];
	_ =	sdelay $0x3  }
0x97: {  	_ =	strace s6  }
0x98: {  	s6 =	sld [smem:$0x3FFD];
	_ =	sdelay $0x3  }
0x99: {  	_ =	strace s6  }
0x9a: {  	_ =	strace $0x8FFFFFFF  }
0x9b: {  	s19 =	sld [smem:$0x3FDB];
	_ =	sdelay $0x1  }
0x9c: {  	s7 =	simm.s32 $_scs_section_size  }
0x9d: {  	s8 =	simm.s32 $_size__tile_overlayer_lowered;
	s9 =	simm.s32 $_tile_overlayer_lowered  }
0x9e: {  	s22 =	simm.s32 $0x1BFF;
	s21 =	sshll.u32 s9, $0x1;
	s6 =	sadd.s32 s7, s19  }
0x9f: {  	s10 =	simm.s32 $0x0;
	s20 =	sshll.u32 s8, $0x1;
	s8 =	sadd.s32 s21, s6  }
0xa0: {  	[timem:s10], [sflag:s22] =	dma.local [hbm:s8], s20  }
0xa1: {  	_ =	swait.ge [sflag:s22], s20  }
0xa2: {  	s7 =	ssub.s32 $0x0, s20;
	[sflag:s22] =	ssyncset.done $0x0  }
0xa3: {  	[sflag:s22] =	ssyncadd.s32 s7;
	_ =	sdelay $0x1  }
0xa4: {  	s23 =	simm.s32 $0x1B8B  }
0xa5: {  	_ =	swait.ge [sflag:s23], $0x1  }
0xa6: {  	[sflag:s23] =	ssyncset.done $0x0  }
0xa7: {  	s25 =	simm.s32 $0x1B8E;
	s24 =	sld [smem:$0x3FFE];
	[sflag:s23] =	ssyncadd.s32 $0xFFFFFFFF  }
0xa8: {  	s26 =	simm.s32 $execute0_lowered;
	[smem:$0x3FD2] =	sst s25  }
0xa9: {  	s8 =	sshll.u32 s26, $0x1;
	_ =	strace $0x80000046;
	[dreg:$0x1] =	wrdreg $0xFFFFFFFF  }
0xaa: {  	s28 =	simm.s32 $_size_execute0_lowered;
	s6 =	sadd.s32 s6, s8;
	[dreg:$0x0] =	wrdreg $0x0  }
0xab: {  	s8 =	sshll.u32 s28, $0x1;
	[dreg:$0x2] =	wrdreg s6  }
0xac: {  	[dreg:$0x3] =	wrdreg s8  }
0xad: {  	[dreg:$0x4] =	wrdreg $0xC0  }
0xae: {  	_ =	task [dreg:s10], $0x5FFFF  }
0xaf: {  	[dreg:$0x1] =	wrdreg $0xFFFFFFFF  }
0xb0: {  	[dreg:$0x0] =	wrdreg $0x60  }
0xb1: {  	[dreg:$0x2] =	wrdreg s2  }
0xb2: {  	[dreg:$0x3] =	wrdreg s18  }
0xb3: {  	[dreg:$0x4] =	wrdreg s4  }
0xb4: {  	[dreg:$0x5] =	wrdreg s5  }
0xb5: {  	[dreg:$0x6] =	wrdreg s24  }
0xb6: {  	[dreg:$0x7] =	wrdreg $0x9  }
0xb7: {  	_ =	task.clear_ibuf [dreg:s10], $0x8FFFF;
	_ =	strace $0x90000046  }
0xb8: {  	s29 =	simm.s32 $0x9;
	_ =	strace $0x80000048  }
0xb9: {  	_ =	swait.ge [sflag:s29], $0x1  }
0xba: {  	[sflag:s29] =	ssyncadd.s32 $0xFFFFFFFF  }
0xbb: {  	_ =	strace $0x90000048  }
0xbc: {  	_ =	sfence  }
0xbd: {  	s30 =	sld [smem:$0x0];
	_ =	sdelay $0x2  }
0xbe: {  	s31 =	sshll.u32 s1, $0xD;
	s1 =	sshrl.u32 s1, $0x2  }
0xbf: {  	s3 =	sand.u32 $0x4000, s31;
	s1 =	sadd.s32 s1, s30  }
0xc0: {  	s0 =	sor.u32 s3, s0;
	s1 =	sshll.u32 s1, $0x11  }
0xc1: {  	s0 =	sor.u32 s1, s0  }
0xc2: {  	s0 =	sadd.s32 $0x8F2B, s0  }
0xc3: {  	[sflag:s0] =	ssyncadd.remote.s32 $0x1  }
0xc4: {  	_ =	sfence.sel $0xFFFF  }
0xc5: {  	[dreg:$0x0] =	wrdreg $0xFFFFFFFF;
	(pc) =	sbr.abs _section_cstart, $3  }
0xc6: {  	[dreg:$0x1] =	wrdreg $0xFFFFFFFF  }
0xc7: {  	_ =	task.clear_ibuf [dreg:s10], $0x2FFFF;
	_ =	strace $0x9FFFFFFF  }
0xc8: {  	(tm) =	ssettm $0x7FFFFFFF  }
0xc9: {  	_ =	shalt  }
tec
execute0_lowered:
.L_overlay_start_1:
0x0: {  	(tag) =	ssettag $0x1  }
0x1: {  	s0 =	rddreg [dreg:$0x0]  }
0x2: {  	s1 =	rddreg [dreg:$0x1]  }
0x3: {  	s2 =	rddreg [dreg:$0x2]  }
0x4: {  	s3 =	rddreg [dreg:$0x3];
	s4 =	srdreg.scid  }
0x5: {  	s5 =	rddreg [dreg:$0x4];
	s6 =	stileid.u32  }
0x6: {  	s30 =	simm.s32 $0x2;
	s4 =	sand.u32 $0x1, s4;
	s6 =	sshll.u32 s6, $0x1  }
0x7: {  	s31 =	simm.s32 $0x80;
	s7 =	ssub.s32 $0x2, s4;
	s4 =	sor.u32 s4, s6  }
0x8: {  	s8 =	sadd.s32 $0x2C00, s5;
	s21 =	sshrl.u32 s7, $0x1;
	s9 =	sshll.u32 s4, $0x6  }
0x9: {  	s22 =	sshll.u32 s4, $0x9;
	s6 =	ssub.s32 s7, s21;
	s10 =	sadd.s32 s0, s9  }
0xa: {  	s23 =	sadd.s32 s1, s9;
	s24 =	sor.u32 $0x80, s22;
	[dreg:$0x6] =	wrdreg s10  }
0xb: {  	s11 =	sadd.s32 s2, s9;
	s9 =	sadd.s32 s3, s9;
	[dreg:$0x7] =	wrdreg s23  }
0xc: {  	s13 =	sor.u32 $0x100, s22;
	s7 =	sor.u32 $0x180, s22;
	[dreg:$0x8] =	wrdreg s11  }
0xd: {  	s22 =	sshll.u32 s4, $0xA;
	[dreg:$0x9] =	wrdreg s9;
	s25 =	sshrl.u32 s24, $0x3  }
0xe: {  	s14 =	sshrl.u32 s13, $0x3;
	s18 =	sshrl.u32 s7, $0x3;
	s26 =	sadd.s32 s0, s25  }
0xf: {  	s23 =	sshll.u32 s24, $0x1;
	s12 =	sadd.s32 s1, s25;
	[dreg:$0xa] =	wrdreg s26  }
0x10: {  	s24 =	sshll.u32 s13, $0x1;
	s9 =	sadd.s32 s3, s25;
	[dreg:$0xb] =	wrdreg s12  }
0x11: {  	s29 =	smax.u32 s6, $0x1;
	s15 =	sadd.s32 s0, s14;
	[dreg:$0xd] =	wrdreg s9  }
0x12: {  	s6 =	simm.s32 $0x4200;
	s16 =	sadd.s32 s1, s14;
	[dreg:$0xe] =	wrdreg s15  }
0x13: {  	s10 =	simm.s32 $0x1;
	s17 =	sadd.s32 s2, s14;
	[dreg:$0xf] =	wrdreg s16  }
0x14: {  	s11 =	simm.s32 $0x8200;
	s0 =	sadd.s32 s0, s18;
	[dreg:$0x10] =	wrdreg s17  }
0x15: {  	s19 =	sadd.s32 s1, s18;
	s20 =	sadd.s32 s2, s18;
	[dreg:$0x12] =	wrdreg s0  }
0x16: {  	s21 =	sadd.s32 s3, s18;
	s18 =	sadd.s32 s8, s22;
	[dreg:$0x13] =	wrdreg s19  }
0x17: {  	s1 =	simm.s32 $0x180;
	s12 =	sadd.s32 s2, s25;
	[dreg:$0x14] =	wrdreg s20  }
0x18: {  	s9 =	sadd.s32 s3, s14;
	[dreg:$0x15] =	wrdreg s21;
	s19 =	sadd.s32 s8, s23  }
0x19: {  	s20 =	sadd.s32 s8, s24;
	s25 =	sshll.u32 s7, $0x1;
	s21 =	simm.s32 $0x0  }
0x1a: {  	s26 =	sshll.u32 s4, $0x1;
	s23 =	sadd.s32 $0x1313A00, s5;
	s24 =	sadd.s32 $0xF43000, s5  }
0x1b: {  	s2 =	simm.s32 $0x200;
	s3 =	simm.s32 $0x1200;
	[dreg:$0xc] =	wrdreg s12  }
0x1c: {  	s4 =	simm.s32 $0x2200;
	s7 =	simm.s32 $0x5200;
	[dreg:$0x11] =	wrdreg s9  }
0x1d: {  	s22 =	sadd.s32 s8, s25;
	[smem:$0x7FF] =	sst s21;
	s0 =	sadd.s32 s26, s5  }
0x1e: {  	s25 =	sadd.s32 $0x1C00, s5;
	s26 =	sadd.s32 $0xC00, s5;
	s5 =	simm.s32 $0x3200  }
0x1f: {  	s8 =	simm.s32 $0x6200;
	s9 =	simm.s32 $0x7200;
	s12 =	simm.s32 $0x0  }
0x20: {  	_ =	strace $0x80000047;
	s28 =	sadd.s32 $0xAC00, s0;
	s0 =	simm.s32 $0x100  }
.LBB2_1:
0x21: {  	s13 =	rddreg [dreg:$0x6]  }
0x22: {  	[tilespmem:s21], [sflag:$0x2] =	stream.linear.gather [hbm4b:s13+s21], $0x80, $0x38;
	[tilespmem:$0x8A10] =	vst v63  }
0x23: {  	_ =	swait.ge [sflag:s30], $0x80  }
0x24: {  	[sflag:s30] =	ssyncset.done $0x0  }
0x25: {  	s17 =	rddreg [dreg:$0x7];
	[sflag:s30] =	ssyncadd.s32 $0xFFFFFF80  }
0x26: {  	[tilespmem:s31], [sflag:$0x2] =	stream.linear.gather [hbm4b:s17+s21], $0x80, $0x38;
	[tilespmem:$0x8A10] =	vst v63  }
0x27: {  	_ =	swait.ge [sflag:s30], $0x80  }
0x28: {  	[sflag:s30] =	ssyncset.done $0x0  }
0x29: {  	s14 =	rddreg [dreg:$0x8];
	[sflag:s30] =	ssyncadd.s32 $0xFFFFFF80  }
0x2a: {  	[tilespmem:s0], [sflag:$0x2] =	stream.linear.gather [hbm4b:s14+s21], $0x80, $0x38;
	[tilespmem:$0x8A10] =	vst v63  }
0x2b: {  	_ =	swait.ge [sflag:s30], $0x80  }
0x2c: {  	[sflag:s30] =	ssyncset.done $0x0  }
0x2d: {  	s15 =	rddreg [dreg:$0x9];
	[sflag:s30] =	ssyncadd.s32 $0xFFFFFF80  }
0x2e: {  	[tilespmem:s1], [sflag:$0x2] =	stream.linear.gather [hbm4b:s15+s21], $0x80, $0x38;
	[tilespmem:$0x8A10] =	vst v63  }
0x2f: {  	_ =	swait.ge [sflag:s30], $0x80  }
0x30: {  	[sflag:s30] =	ssyncset.done $0x0  }
0x31: {  	[sflag:s30] =	ssyncadd.s32 $0xFFFFFF80  }
0x32: {  	[tilespmem:s2], [sflag:$0x1] =	stream.indirect.gather [hbm4b:s23+s31], $0x20, s21, s31, $0xb8;
	[tilespmem:$0x8A10] =	vst v63  }
0x33: {  	_ = 	snop  }
0x34: {  	[tilespmem:s3], [sflag:$0x1] =	stream.indirect.gather [hbm4b:s24+s31], $0x20, s21, s31, $0xb8;
	[tilespmem:$0x8A10] =	vst v63  }
0x35: {  	_ = 	snop  }
0x36: {  	[tilespmem:s4], [sflag:$0x1] =	stream.indirect.gather [hbm4b:s23+s31], $0x20, s0, s31, $0xb8;
	[tilespmem:$0x8A10] =	vst v63  }
0x37: {  	_ = 	snop  }
0x38: {  	[tilespmem:s5], [sflag:$0x1] =	stream.indirect.gather [hbm4b:s24+s31], $0x20, s0, s31, $0xb8;
	[tilespmem:$0x8A10] =	vst v63  }
0x39: {  	_ = 	snop  }
0x3a: {  	[tilespmem:s6], [sflag:$0x1] =	stream.indirect.gather [hbm4b:s23+s31], $0x20, s1, s31, $0xb8;
	[tilespmem:$0x8A10] =	vst v63  }
0x3b: {  	_ = 	snop  }
0x3c: {  	[tilespmem:s7], [sflag:$0x1] =	stream.indirect.gather [hbm4b:s24+s31], $0x20, s1, s31, $0xb8;
	[tilespmem:$0x8A10] =	vst v63  }
0x3d: {  	_ = 	snop  }
0x3e: {  	[tilespmem:s8], [sflag:$0x1] =	stream.indirect.gather [hbm4b:s25+s31], $0x20, s31, s31, $0xb8;
	[tilespmem:$0x8A10] =	vst v63  }
0x3f: {  	_ = 	snop  }
0x40: {  	[tilespmem:s9], [sflag:$0x1] =	stream.indirect.gather [hbm4b:s26+s31], $0x20, s31, s31, $0xb8;
	[tilespmem:$0x8A10] =	vst v63  }
0x41: {  	_ =	swait.ge [sflag:s10], $0x1000  }
0x42: {  	[sflag:s10] =	ssyncset.done $0x0  }
0x43: {  	[sflag:s10] =	ssyncadd.s32 $0xFFFFF000  }
0x44: {  	_ =	swait.ge [sflag:s10], $0x1000  }
0x45: {  	[sflag:s10] =	ssyncset.done $0x0  }
0x46: {  	[sflag:s10] =	ssyncadd.s32 $0xFFFFF000  }
0x47: {  	_ =	swait.ge [sflag:s10], $0x1000  }
0x48: {  	[sflag:s10] =	ssyncset.done $0x0  }
0x49: {  	[sflag:s10] =	ssyncadd.s32 $0xFFFFF000  }
0x4a: {  	_ =	swait.ge [sflag:s10], $0x1000  }
0x4b: {  	[sflag:s10] =	ssyncset.done $0x0  }
0x4c: {  	[sflag:s10] =	ssyncadd.s32 $0xFFFFF000  }
0x4d: {  	_ =	swait.ge [sflag:s10], $0x1000  }
0x4e: {  	[sflag:s10] =	ssyncset.done $0x0  }
0x4f: {  	[sflag:s10] =	ssyncadd.s32 $0xFFFFF000  }
0x50: {  	_ =	swait.ge [sflag:s10], $0x1000  }
0x51: {  	[sflag:s10] =	ssyncset.done $0x0  }
0x52: {  	[sflag:s10] =	ssyncadd.s32 $0xFFFFF000  }
0x53: {  	_ =	swait.ge [sflag:s10], $0x1000  }
0x54: {  	[sflag:s10] =	ssyncset.done $0x0  }
0x55: {  	[sflag:s10] =	ssyncadd.s32 $0xFFFFF000  }
0x56: {  	_ =	swait.ge [sflag:s10], $0x1000  }
0x57: {  	[sflag:s10] =	ssyncset.done $0x0  }
0x58: {  	s16 =	simm.s32 $0x0;
	[sflag:s10] =	ssyncadd.s32 $0xFFFFF000  }
0x59: {  	v11 =	vld [tilespmem:s16+$0x7200]  }
0x5a: {  	v4 =	vld [tilespmem:s16+$0x5200]  }
0x5b: {  	v12 =	vld [tilespmem:s16+$0x6200]  }
0x5c: {  	v14 =	vld [tilespmem:s16+$0x6210]  }
0x5d: {  	v6 =	vld [tilespmem:s16+$0x4200]  }
0x5e: {  	v0 =	vld [tilespmem:s16+$0x3200]  }
0x5f: {  	v2 =	vld [tilespmem:s16+$0x2200]  }
0x60: {  	v1 =	vld [tilespmem:s16+$0x7210]  }
0x61: {  	v3 =	vld [tilespmem:s16+$0x200]  }
0x62: {  	v5 =	vld [tilespmem:s16+$0x210]  }
0x63: {  	v7 =	vld [tilespmem:s16+$0x1200]  }
0x64: {  	v8 =	vld [tilespmem:s16+$0x1210]  }
0x65: {  	v13 =	vld [tilespmem:s16+$0x5210]  }
0x66: {  	v9 =	vld [tilespmem:s16+$0x3210]  }
0x67: {  	v16 =	vld [tilespmem:s16+$0x2210];
	v10 =	vmul.f32 v12, v3;
	v15 =	vmul.f32 v11, v3  }
0x68: {  	v18 =	vld [tilespmem:s16+$0x4210];
	v17 =	vmul.f32 v14, v5;
	v3 =	vmul.f32 v3, v3  }
0x69: {  	v19 =	vsub.f32 v4, v0;
	v20 =	vmul.f32 v11, v7;
	v21 =	vmul.f32 v12, v7  }
0x6a: {  	v22 =	vsub.f32 v6, v2;
	v23 =	vmul.f32 v14, v8;
	v24 =	vmul.f32 v1, v5  }
0x6b: {  	v25 =	vsub.f32 v13, v9;
	v10 =	vsub.f32 v10, v20;
	v20 =	vmul.f32 v1, v8  }
0x6c: {  	v5 =	vmul.f32 v5, v5;
	v15 =	vadd.f32 v15, v21;
	v21 =	vadd.f32 v24, v23  }
0x6d: {  	v7 =	vmul.f32 v7, v7;
	v17 =	vsub.f32 v17, v20;
	v20 =	vsub.f32 v18, v16  }
0x6e: {  	v3 =	vadd.f32 v5, v3;
	v10 =	vmul.f32 v22, v10;
	v15 =	vmul.f32 v19, v15  }
0x6f: {  	v5 =	vmul.f32 v25, v21;
	v17 =	vmul.f32 v20, v17  }
0x70: {  	v3 =	vadd.f32 v7, v3  }
0x71: {  	v7 =	vmul.f32 v8, v8;
	v8 =	vadd.f32 v15, v10;
	v5 =	vadd.f32 v5, v17;
	_ =	sdelay $0x1  }
0x72: {  	v2 =	vmul.f32 v2, v2;
	v3 =	vadd.f32 v7, v3;
	v5 =	vadd.f32 v5, v8;
	_ =	sdelay $0x1  }
0x73: {  	s17 =	simm.s32 $0x20;
	v7 =	vmul.f32 v16, v16;
	v2 =	vadd.f32 v2, v3;
	[tilespmem:s11+$0x0] =	vst v5  }
0x74: {  	v3 =	vld [tilespmem:s17+$0x7200]  }
0x75: {  	v0 =	vmul.f32 v0, v0;
	v5 =	vadd.f32 v7, v2;
	v8 =	vld [tilespmem:s17+$0x5200]  }
0x76: {  	v2 =	vld [tilespmem:s17+$0x6200]  }
0x77: {  	v9 =	vmul.f32 v9, v9;
	v10 =	vld [tilespmem:s17+$0x2200];
	v7 =	vadd.f32 v0, v5  }
0x78: {  	v16 =	vld [tilespmem:s17+$0x200]  }
0x79: {  	v6 =	vmul.f32 v6, v6;
	v15 =	vmul.f32 v18, v18;
	v18 =	vld [tilespmem:s17+$0x1200];
	v7 =	vadd.f32 v9, v7  }
0x7a: {  	v17 =	vld [tilespmem:s17+$0x1210]  }
0x7b: {  	v5 =	vld [tilespmem:s17+$0x6210];
	v7 =	vadd.f32 v6, v7  }
0x7c: {  	v0 =	vld [tilespmem:s17+$0x4200]  }
0x7d: {  	v4 =	vmul.f32 v4, v4;
	v6 =	vld [tilespmem:s17+$0x7210];
	v7 =	vadd.f32 v15, v7  }
0x7e: {  	v15 =	vld [tilespmem:s17+$0x210]  }
0x7f: {  	v14 =	vmul.f32 v14, v14;
	v20 =	vmul.f32 v13, v13;
	v9 =	vld [tilespmem:s17+$0x3200];
	v19 =	vadd.f32 v4, v7  }
0x80: {  	v21 =	vmul.f32 v12, v12;
	v13 =	vmul.f32 v11, v11;
	v12 =	vld [tilespmem:s17+$0x3210]  }
0x81: {  	v22 =	vmul.f32 v2, v16;
	v23 =	vmul.f32 v3, v16;
	v7 =	vld [tilespmem:s17+$0x5210];
	v11 =	vadd.f32 v20, v19  }
0x82: {  	v27 =	vmul.f32 v16, v16;
	v25 =	vmul.f32 v18, v18;
	v16 =	vsub.f32 v0, v10  }
0x83: {  	v19 =	vld [tilespmem:s17+$0x2210];
	v26 =	vmul.f32 v5, v15;
	v28 =	vmul.f32 v6, v15;
	v20 =	vadd.f32 v11, v21  }
0x84: {  	v24 =	vsub.f32 v8, v9;
	v30 =	vmul.f32 v15, v15;
	v11 =	vld [tilespmem:s17+$0x4210];
	v21 =	vmul.f32 v3, v18  }
0x85: {  	v18 =	vmul.f32 v2, v18;
	v20 =	vadd.f32 v20, v14;
	v14 =	vmul.f32 v5, v17  }
0x86: {  	v29 =	vsub.f32 v7, v12;
	v21 =	vsub.f32 v22, v21;
	v22 =	vmul.f32 v6, v17  }
0x87: {  	v4 =	vimm.f32 $0.0e+00;
	v23 =	vadd.f32 v23, v18;
	v28 =	vadd.f32 v28, v14  }
0x88: {  	s13 =	simm.s32 $0x8210;
	v27 =	vadd.f32 v30, v27;
	v18 =	vsub.f32 v26, v22;
	v14 =	vmul.f32 v16, v21  }
0x89: {  	s14 =	simm.s32 $0x40;
	s15 =	simm.s32 $0x180;
	s16 =	simm.s32 $0x8210;
	v15 =	vmul.f32 v24, v23;
	v21 =	vsub.f32 v11, v19;
	v16 =	vmul.f32 v29, v28  }
.LBB2_2:
0x8a: {  	p0 =	sne.s32 s15, $0x3F80  }
0x8b: {  	v18 =	vmul.f32 v21, v18;
	s13 =	sadd.s32 $0x10, s13;
	v13 =	vadd.f32 v20, v13;
	s17 =	smov.u32 s15;
	s15 =	sadd.s32 $0x80, s15  }
0x8c: {  	v17 =	vmul.f32 v17, v17;
	v21 =	vmul.f32 v1, v1;
	v1 =	vmovc v6;
	v20 =	vadd.f32 v25, v27  }
0x8d: {  	v6 =	vadd.f32 v15, v14;
	v14 =	vadd.f32 v16, v18  }
0x8e: {  	v10 =	vmul.f32 v10, v10;
	v13 =	vadd.f32 v13, v21;
	v15 =	vadd.f32 v17, v20  }
0x8f: {  	v6 =	vadd.f32 v14, v6  }
0x90: {  	v14 =	vmul.f32 v19, v19;
	v4 =	vadd.f32 v13, v4;
	v10 =	vadd.f32 v10, v15  }
0x91: {  	[tilespmem:s16+$0x0] =	vst v6;
	s16 =	smov.u32 s13  }
0x92: {  	v9 =	vmul.f32 v9, v9;
	v15 =	vld [tilespmem:s14+$0x7200];
	v6 =	vadd.f32 v14, v10  }
0x93: {  	v13 =	vld [tilespmem:s14+$0x5200]  }
0x94: {  	v14 =	vld [tilespmem:s14+$0x6200];
	v6 =	vadd.f32 v9, v6;
	v9 =	vmul.f32 v12, v12  }
0x95: {  	v16 =	vld [tilespmem:s14+$0x6210]  }
0x96: {  	v12 =	vmul.f32 v0, v0;
	v6 =	vadd.f32 v9, v6;
	v0 =	vld [tilespmem:s14+$0x4200]  }
0x97: {  	v9 =	vld [tilespmem:s14+$0x3200]  }
0x98: {  	v11 =	vmul.f32 v11, v11;
	v10 =	vld [tilespmem:s14+$0x2200];
	v12 =	vadd.f32 v12, v6  }
0x99: {  	v6 =	vld [tilespmem:s14+$0x7210]  }
0x9a: {  	v18 =	vld [tilespmem:s14+$0x200];
	v11 =	vadd.f32 v11, v12;
	v12 =	vmul.f32 v8, v8;
	v8 =	vmov v13  }
0x9b: {  	v21 =	vld [tilespmem:s14+$0x210]  }
0x9c: {  	v20 =	vld [tilespmem:s14+$0x1200];
	v22 =	vsub.f32 v8, v9;
	v11 =	vadd.f32 v12, v11;
	v12 =	vmul.f32 v7, v7  }
0x9d: {  	v17 =	vld [tilespmem:s14+$0x1210];
	v23 =	vsub.f32 v0, v10  }
0x9e: {  	v24 =	vmul.f32 v2, v2;
	v13 =	vmul.f32 v3, v3;
	v3 =	vmovc v15;
	v7 =	vld [tilespmem:s14+$0x5210];
	v11 =	vadd.f32 v12, v11  }
0x9f: {  	s17 =	sshra.s32 s17, $0x2;
	v2 =	vmov v14;
	v12 =	vld [tilespmem:s14+$0x3210];
	v15 =	vmul.f32 v14, v18;
	v26 =	vmul.f32 v3, v18  }
0xa0: {  	v27 =	vmul.f32 v5, v5;
	v5 =	vmovc v16;
	v19 =	vld [tilespmem:s14+$0x2210];
	v14 =	vmul.f32 v16, v21;
	v24 =	vadd.f32 v11, v24  }
0xa1: {  	v28 =	vmul.f32 v18, v18;
	v11 =	vld [tilespmem:s14+$0x4210];
	v25 =	vmul.f32 v20, v20;
	s14 =	smov.u32 s17  }
0xa2: {  	v16 =	vmul.f32 v3, v20;
	v18 =	vmul.f32 v2, v20;
	v20 =	vadd.f32 v24, v27  }
.Ltmp0:
0xa3: {  	v24 =	vmul.f32 v5, v17;
	v27 =	vmul.f32 v6, v21;
	(pc) =	sbr.rel @p0 .LBB2_2-.Ltmp0, $4  }
0xa4: {  	v15 =	vsub.f32 v15, v16;
	v16 =	vmul.f32 v6, v17;
	v29 =	vsub.f32 v7, v12  }
0xa5: {  	v26 =	vadd.f32 v26, v18;
	v24 =	vadd.f32 v27, v24;
	v27 =	vmul.f32 v21, v21  }
0xa6: {  	v18 =	vsub.f32 v14, v16;
	v14 =	vmul.f32 v23, v15;
	v21 =	vsub.f32 v11, v19  }
0xa7: {  	v15 =	vmul.f32 v22, v26;
	v16 =	vmul.f32 v29, v24;
	v27 =	vadd.f32 v27, v28  }
0xa8: {  	v18 =	vmul.f32 v21, v18;
	_ =	sdelay $0x1  }
0xa9: {  	v14 =	vadd.f32 v15, v14;
	v15 =	vadd.f32 v16, v18;
	_ =	sdelay $0x1  }
0xaa: {  	v14 =	vadd.f32 v15, v14;
	_ =	sdelay $0x1  }
0xab: {  	[tilespmem:s16+$0x0] =	vst v14  }
0xac: {  	v15 =	vld [tilespmem:s14+$0x7200]  }
0xad: {  	v21 =	vld [tilespmem:s14+$0x5200]  }
0xae: {  	v18 =	vld [tilespmem:s14+$0x6200]  }
0xaf: {  	v16 =	vld [tilespmem:s14+$0x6210]  }
0xb0: {  	v23 =	vld [tilespmem:s14+$0x4200]  }
0xb1: {  	v28 =	vld [tilespmem:s14+$0x3200]  }
0xb2: {  	v29 =	vld [tilespmem:s14+$0x2200]  }
0xb3: {  	v14 =	vld [tilespmem:s14+$0x7210]  }
0xb4: {  	v30 =	vld [tilespmem:s14+$0x200]  }
0xb5: {  	v31 =	vld [tilespmem:s14+$0x210]  }
0xb6: {  	v32 =	vld [tilespmem:s14+$0x1200]  }
0xb7: {  	v33 =	vld [tilespmem:s14+$0x1210]  }
0xb8: {  	v22 =	vld [tilespmem:s14+$0x5210]  }
0xb9: {  	v26 =	vld [tilespmem:s14+$0x3210]  }
0xba: {  	v34 =	vld [tilespmem:s14+$0x2210]  }
0xbb: {  	v24 =	vld [tilespmem:s14+$0x4210]  }
0xbc: {  	v36 =	vmul.f32 v18, v30  }
0xbd: {  	v37 =	vmul.f32 v15, v32;
	v39 =	vmul.f32 v15, v30  }
0xbe: {  	v35 =	vsub.f32 v21, v28;
	v40 =	vmul.f32 v18, v32;
	v41 =	vmul.f32 v16, v33  }
0xbf: {  	v38 =	vsub.f32 v23, v29;
	v42 =	vmul.f32 v14, v31;
	v60 =	vmul.f32 v16, v31  }
0xc0: {  	v61 =	vmul.f32 v14, v33;
	v62 =	vsub.f32 v22, v26;
	v63 =	vsub.f32 v24, v34  }
0xc1: {  	v36 =	vsub.f32 v36, v37;
	v39 =	vadd.f32 v39, v40  }
0xc2: {  	v41 =	vadd.f32 v42, v41;
	v37 =	vsub.f32 v60, v61  }
0xc3: {  	v36 =	vmul.f32 v38, v36;
	v35 =	vmul.f32 v35, v39  }
0xc4: {  	v42 =	vmul.f32 v62, v41;
	v37 =	vmul.f32 v63, v37;
	_ =	sdelay $0x1  }
0xc5: {  	v35 =	vadd.f32 v35, v36;
	v43 =	vadd.f32 v42, v37;
	_ =	sdelay $0x1  }
0xc6: {  	v35 =	vadd.f32 v43, v35  }
0xc7: {  	s13 =	sadd.s32 $0x10, s13  }
0xc8: {  	s14 =	simm.s32 $0x0;
	[tilespmem:s13+$0x0] =	vst v35;
	s13 =	simm.s32 $0x8200  }
0xc9: {  	[hbm4b:s18+s14] =	stream.linear.scatter [tilespmem:s13], [sflag:$0x2], $0x800, $0x38;
	[tilespmem:$0x8A10] =	vst v63  }
0xca: {  	_ =	swait.ge [sflag:s30], $0x800  }
0xcb: {  	[sflag:s30] =	ssyncset.done $0x0  }
0xcc: {  	s15 =	rddreg [dreg:$0xa];
	[sflag:s30] =	ssyncadd.s32 $0xFFFFF800  }
0xcd: {  	[tilespmem:s14], [sflag:$0x2] =	stream.linear.gather [hbm4b:s15+s14], $0x80, $0x38;
	[tilespmem:$0x8A10] =	vst v63  }
0xce: {  	_ =	swait.ge [sflag:s30], $0x80  }
0xcf: {  	[sflag:s30] =	ssyncset.done $0x0  }
0xd0: {  	s17 =	rddreg [dreg:$0xb];
	[sflag:s30] =	ssyncadd.s32 $0xFFFFFF80  }
0xd1: {  	[tilespmem:s31], [sflag:$0x2] =	stream.linear.gather [hbm4b:s17+s14], $0x80, $0x38;
	[tilespmem:$0x8A10] =	vst v63  }
0xd2: {  	_ =	swait.ge [sflag:s30], $0x80  }
0xd3: {  	[sflag:s30] =	ssyncset.done $0x0  }
0xd4: {  	s16 =	rddreg [dreg:$0xc];
	[sflag:s30] =	ssyncadd.s32 $0xFFFFFF80  }
0xd5: {  	[tilespmem:s0], [sflag:$0x2] =	stream.linear.gather [hbm4b:s16+s14], $0x80, $0x38;
	[tilespmem:$0x8A10] =	vst v63  }
0xd6: {  	_ =	swait.ge [sflag:s30], $0x80  }
0xd7: {  	[sflag:s30] =	ssyncset.done $0x0  }
0xd8: {  	s17 =	rddreg [dreg:$0xd];
	[sflag:s30] =	ssyncadd.s32 $0xFFFFFF80  }
0xd9: {  	[tilespmem:s1], [sflag:$0x2] =	stream.linear.gather [hbm4b:s17+s14], $0x80, $0x38;
	[tilespmem:$0x8A10] =	vst v63  }
0xda: {  	_ =	swait.ge [sflag:s30], $0x80  }
0xdb: {  	[sflag:s30] =	ssyncset.done $0x0  }
0xdc: {  	[sflag:s30] =	ssyncadd.s32 $0xFFFFFF80  }
0xdd: {  	[tilespmem:s2], [sflag:$0x1] =	stream.indirect.gather [hbm4b:s23+s31], $0x20, s14, s31, $0xb8;
	[tilespmem:$0x8A10] =	vst v63  }
0xde: {  	_ = 	snop  }
0xdf: {  	[tilespmem:s3], [sflag:$0x1] =	stream.indirect.gather [hbm4b:s24+s31], $0x20, s14, s31, $0xb8;
	[tilespmem:$0x8A10] =	vst v63  }
0xe0: {  	_ = 	snop  }
0xe1: {  	[tilespmem:s4], [sflag:$0x1] =	stream.indirect.gather [hbm4b:s23+s31], $0x20, s0, s31, $0xb8;
	[tilespmem:$0x8A10] =	vst v63  }
0xe2: {  	_ = 	snop  }
0xe3: {  	[tilespmem:s5], [sflag:$0x1] =	stream.indirect.gather [hbm4b:s24+s31], $0x20, s0, s31, $0xb8;
	[tilespmem:$0x8A10] =	vst v63  }
0xe4: {  	_ = 	snop  }
0xe5: {  	[tilespmem:s6], [sflag:$0x1] =	stream.indirect.gather [hbm4b:s23+s31], $0x20, s1, s31, $0xb8;
	[tilespmem:$0x8A10] =	vst v63  }
0xe6: {  	_ = 	snop  }
0xe7: {  	[tilespmem:s7], [sflag:$0x1] =	stream.indirect.gather [hbm4b:s24+s31], $0x20, s1, s31, $0xb8;
	[tilespmem:$0x8A10] =	vst v63  }
0xe8: {  	_ = 	snop  }
0xe9: {  	[tilespmem:s8], [sflag:$0x1] =	stream.indirect.gather [hbm4b:s25+s31], $0x20, s31, s31, $0xb8;
	[tilespmem:$0x8A10] =	vst v63  }
0xea: {  	_ = 	snop  }
0xeb: {  	[tilespmem:s9], [sflag:$0x1] =	stream.indirect.gather [hbm4b:s26+s31], $0x20, s31, s31, $0xb8;
	[tilespmem:$0x8A10] =	vst v63  }
0xec: {  	_ =	swait.ge [sflag:s10], $0x1000  }
0xed: {  	[sflag:s10] =	ssyncset.done $0x0  }
0xee: {  	[sflag:s10] =	ssyncadd.s32 $0xFFFFF000  }
0xef: {  	_ =	swait.ge [sflag:s10], $0x1000  }
0xf0: {  	[sflag:s10] =	ssyncset.done $0x0  }
0xf1: {  	[sflag:s10] =	ssyncadd.s32 $0xFFFFF000  }
0xf2: {  	_ =	swait.ge [sflag:s10], $0x1000  }
0xf3: {  	[sflag:s10] =	ssyncset.done $0x0  }
0xf4: {  	[sflag:s10] =	ssyncadd.s32 $0xFFFFF000  }
0xf5: {  	_ =	swait.ge [sflag:s10], $0x1000  }
0xf6: {  	[sflag:s10] =	ssyncset.done $0x0  }
0xf7: {  	[sflag:s10] =	ssyncadd.s32 $0xFFFFF000  }
0xf8: {  	_ =	swait.ge [sflag:s10], $0x1000  }
0xf9: {  	[sflag:s10] =	ssyncset.done $0x0  }
0xfa: {  	[sflag:s10] =	ssyncadd.s32 $0xFFFFF000  }
0xfb: {  	_ =	swait.ge [sflag:s10], $0x1000  }
0xfc: {  	[sflag:s10] =	ssyncset.done $0x0  }
0xfd: {  	[sflag:s10] =	ssyncadd.s32 $0xFFFFF000  }
0xfe: {  	_ =	swait.ge [sflag:s10], $0x1000  }
0xff: {  	[sflag:s10] =	ssyncset.done $0x0  }
0x100: {  	[sflag:s10] =	ssyncadd.s32 $0xFFFFF000  }
0x101: {  	v17 =	vmul.f32 v17, v17;
	v25 =	vadd.f32 v25, v27;
	_ =	swait.ge [sflag:s10], $0x1000  }
0x102: {  	[sflag:s10] =	ssyncset.done $0x0  }
0x103: {  	v10 =	vmul.f32 v10, v10;
	v17 =	vadd.f32 v17, v25;
	s16 =	simm.s32 $0x0;
	[sflag:s10] =	ssyncadd.s32 $0xFFFFF000  }
0x104: {  	v25 =	vld [tilespmem:s16+$0x7200]  }
0x105: {  	v10 =	vadd.f32 v10, v17;
	v17 =	vmul.f32 v19, v19;
	v44 =	vld [tilespmem:s16+$0x5200]  }
0x106: {  	v30 =	vmul.f32 v30, v30;
	v31 =	vmul.f32 v31, v31;
	v19 =	vld [tilespmem:s16+$0x6200]  }
0x107: {  	v9 =	vmul.f32 v9, v9;
	v10 =	vadd.f32 v17, v10;
	v27 =	vld [tilespmem:s16+$0x6210]  }
0x108: {  	v17 =	vmul.f32 v32, v32;
	v30 =	vadd.f32 v31, v30;
	v45 =	vld [tilespmem:s16+$0x4200]  }
0x109: {  	v9 =	vadd.f32 v9, v10;
	v10 =	vmul.f32 v12, v12;
	v12 =	vld [tilespmem:s16+$0x3200]  }
0x10a: {  	v46 =	vmul.f32 v33, v33;
	v17 =	vadd.f32 v17, v30;
	v47 =	vld [tilespmem:s16+$0x2200]  }
0x10b: {  	v9 =	vadd.f32 v10, v9;
	v10 =	vmul.f32 v0, v0;
	v0 =	vld [tilespmem:s16+$0x7210]  }
0x10c: {  	v29 =	vmul.f32 v29, v29;
	v17 =	vadd.f32 v46, v17;
	v48 =	vld [tilespmem:s16+$0x200]  }
0x10d: {  	v9 =	vadd.f32 v10, v9;
	v10 =	vmul.f32 v11, v11;
	v11 =	vld [tilespmem:s16+$0x1200]  }
0x10e: {  	v17 =	vadd.f32 v29, v17;
	v29 =	vmul.f32 v34, v34;
	v49 =	vld [tilespmem:s16+$0x210]  }
0x10f: {  	v8 =	vmul.f32 v8, v8;
	v9 =	vadd.f32 v10, v9;
	v10 =	vld [tilespmem:s16+$0x1210]  }
0x110: {  	v28 =	vmul.f32 v28, v28;
	v17 =	vadd.f32 v29, v17;
	v29 =	vld [tilespmem:s16+$0x5210]  }
0x111: {  	v8 =	vadd.f32 v8, v9;
	v9 =	vld [tilespmem:s16+$0x3210]  }
0x112: {  	v7 =	vmul.f32 v7, v7;
	v17 =	vadd.f32 v28, v17;
	v28 =	vld [tilespmem:s16+$0x2210]  }
0x113: {  	v26 =	vmul.f32 v26, v26;
	v23 =	vmul.f32 v23, v23;
	v53 =	vld [tilespmem:s16+$0x4210]  }
0x114: {  	v13 =	vadd.f32 v20, v13;
	v20 =	vmul.f32 v19, v48;
	v50 =	vmul.f32 v25, v11  }
0x115: {  	v17 =	vadd.f32 v26, v17;
	v52 =	vmul.f32 v25, v48;
	v54 =	vmul.f32 v19, v11  }
0x116: {  	v51 =	vsub.f32 v44, v12;
	v55 =	vmul.f32 v27, v10;
	v56 =	vmul.f32 v0, v49  }
0x117: {  	v57 =	vmul.f32 v27, v49;
	v58 =	vmul.f32 v0, v10;
	v59 =	vsub.f32 v45, v47  }
0x118: {  	v30 =	vmul.f32 v48, v48;
	v60 =	vsub.f32 v29, v9;
	v61 =	vsub.f32 v53, v28  }
0x119: {  	v33 =	vmul.f32 v49, v49;
	v20 =	vsub.f32 v20, v50;
	v37 =	vadd.f32 v52, v54  }
0x11a: {  	v11 =	vmul.f32 v11, v11;
	v40 =	vadd.f32 v56, v55;
	v34 =	vsub.f32 v57, v58  }
0x11b: {  	v30 =	vadd.f32 v33, v30;
	v20 =	vmul.f32 v59, v20;
	v36 =	vmul.f32 v51, v37  }
0x11c: {  	v7 =	vadd.f32 v7, v8;
	v26 =	vmul.f32 v60, v40;
	v62 =	vmul.f32 v61, v34  }
0x11d: {  	v8 =	vadd.f32 v23, v17;
	v17 =	vmul.f32 v24, v24;
	v11 =	vadd.f32 v11, v30  }
0x11e: {  	v10 =	vmul.f32 v10, v10;
	v20 =	vadd.f32 v36, v20;
	v26 =	vadd.f32 v26, v62  }
0x11f: {  	v8 =	vadd.f32 v17, v8;
	v17 =	vmul.f32 v21, v21  }
0x120: {  	v10 =	vadd.f32 v10, v11;
	v11 =	vadd.f32 v26, v20;
	v20 =	vmul.f32 v47, v47  }
0x121: {  	v8 =	vadd.f32 v17, v8;
	v17 =	vmul.f32 v22, v22  }
0x122: {  	v2 =	vmul.f32 v2, v2;
	v10 =	vadd.f32 v20, v10;
	v20 =	vmul.f32 v28, v28  }
0x123: {  	v1 =	vmul.f32 v1, v1;
	v8 =	vadd.f32 v17, v8;
	v17 =	vmul.f32 v18, v18;
	s17 =	simm.s32 $0x20;
	[tilespmem:s13+$0x0] =	vst v11  }
0x124: {  	v12 =	vmul.f32 v12, v12;
	v11 =	vadd.f32 v7, v2;
	v2 =	vld [tilespmem:s17+$0x7200];
	v10 =	vadd.f32 v20, v10  }
0x125: {  	v21 =	vmul.f32 v5, v5;
	v18 =	vmul.f32 v6, v6;
	v8 =	vadd.f32 v8, v17;
	v7 =	vld [tilespmem:s17+$0x5200]  }
0x126: {  	v9 =	vmul.f32 v9, v9;
	v5 =	vld [tilespmem:s17+$0x6200];
	v20 =	vmul.f32 v3, v3;
	v10 =	vadd.f32 v12, v10  }
0x127: {  	v6 =	vld [tilespmem:s17+$0x7210];
	v11 =	vadd.f32 v11, v21;
	v12 =	vadd.f32 v13, v1;
	v13 =	vmul.f32 v16, v16  }
0x128: {  	v17 =	vmul.f32 v45, v45;
	v3 =	vld [tilespmem:s17+$0x6210];
	v16 =	vadd.f32 v9, v10  }
0x129: {  	v15 =	vmul.f32 v15, v15;
	v1 =	vld [tilespmem:s17+$0x4200];
	v11 =	vadd.f32 v11, v20;
	v8 =	vadd.f32 v8, v13  }
0x12a: {  	v9 =	vld [tilespmem:s17+$0x3200];
	v4 =	vadd.f32 v12, v4;
	v13 =	vmul.f32 v53, v53;
	v12 =	vadd.f32 v17, v16  }
0x12b: {  	v14 =	vmul.f32 v14, v14;
	v11 =	vadd.f32 v11, v18;
	v8 =	vadd.f32 v8, v15;
	v15 =	vld [tilespmem:s17+$0x200]  }
0x12c: {  	v16 =	vld [tilespmem:s17+$0x210];
	v12 =	vadd.f32 v13, v12;
	v13 =	vmul.f32 v44, v44  }
0x12d: {  	v4 =	vadd.f32 v11, v4;
	v8 =	vadd.f32 v8, v14;
	v14 =	vld [tilespmem:s17+$0x1200]  }
0x12e: {  	v10 =	vld [tilespmem:s17+$0x2200];
	v11 =	vadd.f32 v13, v12;
	v12 =	vmul.f32 v29, v29  }
0x12f: {  	v20 =	vmul.f32 v27, v27;
	v18 =	vmul.f32 v19, v19;
	v17 =	vld [tilespmem:s17+$0x1210];
	v4 =	vadd.f32 v8, v4  }
0x130: {  	v8 =	vld [tilespmem:s17+$0x5210];
	v13 =	vmul.f32 v25, v25;
	v21 =	vmul.f32 v5, v15;
	v11 =	vadd.f32 v12, v11  }
0x131: {  	v23 =	vsub.f32 v7, v9;
	v22 =	vmul.f32 v2, v15;
	v24 =	vmul.f32 v3, v16;
	v12 =	vld [tilespmem:s17+$0x3210]  }
0x132: {  	v19 =	vld [tilespmem:s17+$0x2210];
	v26 =	vmul.f32 v15, v15;
	v25 =	vmul.f32 v14, v14;
	v18 =	vadd.f32 v11, v18  }
0x133: {  	v15 =	vsub.f32 v1, v10;
	v27 =	vmul.f32 v2, v14;
	v14 =	vmul.f32 v5, v14;
	v11 =	vld [tilespmem:s17+$0x4210]  }
0x134: {  	v28 =	vmul.f32 v6, v16;
	v20 =	vadd.f32 v18, v20;
	v18 =	vmul.f32 v3, v17  }
0x135: {  	v21 =	vsub.f32 v21, v27;
	v27 =	vmul.f32 v6, v17;
	v22 =	vadd.f32 v22, v14  }
0x136: {  	v63 =	vmul.f32 v16, v16;
	v29 =	vsub.f32 v8, v12;
	v28 =	vadd.f32 v28, v18  }
0x137: {  	s15 =	simm.s32 $0x180;
	v14 =	vmul.f32 v15, v21;
	v15 =	vmul.f32 v23, v22;
	v18 =	vsub.f32 v24, v27  }
0x138: {  	s14 =	simm.s32 $0x40;
	s16 =	simm.s32 $0x8210;
	s13 =	simm.s32 $0x8210;
	v27 =	vadd.f32 v63, v26;
	v21 =	vsub.f32 v11, v19;
	v16 =	vmul.f32 v29, v28  }
.LBB2_4:
0x139: {  	p0 =	sne.s32 s15, $0x3F80  }
0x13a: {  	v18 =	vmul.f32 v21, v18;
	s13 =	sadd.s32 $0x10, s13;
	v13 =	vadd.f32 v20, v13;
	s17 =	smov.u32 s15;
	s15 =	sadd.s32 $0x80, s15  }
0x13b: {  	v17 =	vmul.f32 v17, v17;
	v21 =	vmul.f32 v0, v0;
	v0 =	vmovc v6;
	v20 =	vadd.f32 v25, v27  }
0x13c: {  	v6 =	vadd.f32 v15, v14;
	v14 =	vadd.f32 v16, v18  }
0x13d: {  	v10 =	vmul.f32 v10, v10;
	v13 =	vadd.f32 v13, v21;
	v15 =	vadd.f32 v17, v20  }
0x13e: {  	v6 =	vadd.f32 v14, v6  }
0x13f: {  	v14 =	vmul.f32 v19, v19;
	v4 =	vadd.f32 v13, v4;
	v10 =	vadd.f32 v10, v15  }
0x140: {  	[tilespmem:s16+$0x0] =	vst v6;
	s16 =	smov.u32 s13  }
0x141: {  	v9 =	vmul.f32 v9, v9;
	v15 =	vld [tilespmem:s14+$0x7200];
	v6 =	vadd.f32 v14, v10  }
0x142: {  	v13 =	vld [tilespmem:s14+$0x5200]  }
0x143: {  	v14 =	vld [tilespmem:s14+$0x6200];
	v6 =	vadd.f32 v9, v6;
	v9 =	vmul.f32 v12, v12  }
0x144: {  	v16 =	vld [tilespmem:s14+$0x6210]  }
0x145: {  	v12 =	vmul.f32 v1, v1;
	v6 =	vadd.f32 v9, v6;
	v1 =	vld [tilespmem:s14+$0x4200]  }
0x146: {  	v9 =	vld [tilespmem:s14+$0x3200]  }
0x147: {  	v11 =	vmul.f32 v11, v11;
	v10 =	vld [tilespmem:s14+$0x2200];
	v12 =	vadd.f32 v12, v6  }
0x148: {  	v6 =	vld [tilespmem:s14+$0x7210]  }
0x149: {  	v18 =	vld [tilespmem:s14+$0x200];
	v11 =	vadd.f32 v11, v12;
	v12 =	vmul.f32 v7, v7;
	v7 =	vmov v13  }
0x14a: {  	v21 =	vld [tilespmem:s14+$0x210]  }
0x14b: {  	v20 =	vld [tilespmem:s14+$0x1200];
	v22 =	vsub.f32 v7, v9;
	v11 =	vadd.f32 v12, v11;
	v12 =	vmul.f32 v8, v8  }
0x14c: {  	v17 =	vld [tilespmem:s14+$0x1210];
	v23 =	vsub.f32 v1, v10  }
0x14d: {  	v24 =	vmul.f32 v5, v5;
	v13 =	vmul.f32 v2, v2;
	v2 =	vmovc v15;
	v8 =	vld [tilespmem:s14+$0x5210];
	v11 =	vadd.f32 v12, v11  }
0x14e: {  	s17 =	sshra.s32 s17, $0x2;
	v5 =	vmov v14;
	v12 =	vld [tilespmem:s14+$0x3210];
	v15 =	vmul.f32 v14, v18;
	v26 =	vmul.f32 v2, v18  }
0x14f: {  	v27 =	vmul.f32 v3, v3;
	v3 =	vmovc v16;
	v19 =	vld [tilespmem:s14+$0x2210];
	v14 =	vmul.f32 v16, v21;
	v24 =	vadd.f32 v11, v24  }
0x150: {  	v28 =	vmul.f32 v18, v18;
	v11 =	vld [tilespmem:s14+$0x4210];
	v25 =	vmul.f32 v20, v20;
	s14 =	smov.u32 s17  }
0x151: {  	v16 =	vmul.f32 v2, v20;
	v18 =	vmul.f32 v5, v20;
	v20 =	vadd.f32 v24, v27  }
.Ltmp1:
0x152: {  	v24 =	vmul.f32 v3, v17;
	v27 =	vmul.f32 v6, v21;
	(pc) =	sbr.rel @p0 .LBB2_4-.Ltmp1, $4  }
0x153: {  	v15 =	vsub.f32 v15, v16;
	v16 =	vmul.f32 v6, v17;
	v29 =	vsub.f32 v8, v12  }
0x154: {  	v26 =	vadd.f32 v26, v18;
	v24 =	vadd.f32 v27, v24;
	v27 =	vmul.f32 v21, v21  }
0x155: {  	v18 =	vsub.f32 v14, v16;
	v14 =	vmul.f32 v23, v15;
	v21 =	vsub.f32 v11, v19  }
0x156: {  	v15 =	vmul.f32 v22, v26;
	v16 =	vmul.f32 v29, v24;
	v27 =	vadd.f32 v27, v28  }
0x157: {  	v18 =	vmul.f32 v21, v18;
	_ =	sdelay $0x1  }
0x158: {  	v14 =	vadd.f32 v15, v14;
	v15 =	vadd.f32 v16, v18;
	_ =	sdelay $0x1  }
0x159: {  	v14 =	vadd.f32 v15, v14;
	_ =	sdelay $0x1  }
0x15a: {  	[tilespmem:s16+$0x0] =	vst v14  }
0x15b: {  	v15 =	vld [tilespmem:s14+$0x7200]  }
0x15c: {  	v21 =	vld [tilespmem:s14+$0x5200]  }
0x15d: {  	v18 =	vld [tilespmem:s14+$0x6200]  }
0x15e: {  	v16 =	vld [tilespmem:s14+$0x6210]  }
0x15f: {  	v23 =	vld [tilespmem:s14+$0x4200]  }
0x160: {  	v28 =	vld [tilespmem:s14+$0x3200]  }
0x161: {  	v29 =	vld [tilespmem:s14+$0x2200]  }
0x162: {  	v14 =	vld [tilespmem:s14+$0x7210]  }
0x163: {  	v30 =	vld [tilespmem:s14+$0x200]  }
0x164: {  	v31 =	vld [tilespmem:s14+$0x210]  }
0x165: {  	v32 =	vld [tilespmem:s14+$0x1200]  }
0x166: {  	v33 =	vld [tilespmem:s14+$0x1210]  }
0x167: {  	v22 =	vld [tilespmem:s14+$0x5210]  }
0x168: {  	v26 =	vld [tilespmem:s14+$0x3210]  }
0x169: {  	v34 =	vld [tilespmem:s14+$0x2210]  }
0x16a: {  	v24 =	vld [tilespmem:s14+$0x4210]  }
0x16b: {  	v36 =	vmul.f32 v18, v30  }
0x16c: {  	v37 =	vmul.f32 v15, v32;
	v39 =	vmul.f32 v15, v30  }
0x16d: {  	v35 =	vsub.f32 v21, v28;
	v40 =	vmul.f32 v18, v32;
	v41 =	vmul.f32 v16, v33  }
0x16e: {  	v38 =	vsub.f32 v23, v29;
	v42 =	vmul.f32 v14, v31;
	v61 =	vmul.f32 v16, v31  }
0x16f: {  	v62 =	vmul.f32 v14, v33;
	v63 =	vsub.f32 v22, v26;
	v45 =	vsub.f32 v24, v34  }
0x170: {  	v36 =	vsub.f32 v36, v37;
	v39 =	vadd.f32 v39, v40  }
0x171: {  	v41 =	vadd.f32 v42, v41;
	v37 =	vsub.f32 v61, v62  }
0x172: {  	v36 =	vmul.f32 v38, v36;
	v35 =	vmul.f32 v35, v39  }
0x173: {  	v46 =	vmul.f32 v63, v41;
	v37 =	vmul.f32 v45, v37;
	_ =	sdelay $0x1  }
0x174: {  	v35 =	vadd.f32 v35, v36;
	v47 =	vadd.f32 v46, v37;
	_ =	sdelay $0x1  }
0x175: {  	v35 =	vadd.f32 v47, v35  }
0x176: {  	s13 =	sadd.s32 $0x10, s13  }
0x177: {  	s14 =	simm.s32 $0x0;
	[tilespmem:s13+$0x0] =	vst v35;
	s13 =	simm.s32 $0x8200  }
0x178: {  	[hbm4b:s19+s14] =	stream.linear.scatter [tilespmem:s13], [sflag:$0x2], $0x800, $0x38;
	[tilespmem:$0x8A10] =	vst v63  }
0x179: {  	_ =	swait.ge [sflag:s30], $0x800  }
0x17a: {  	[sflag:s30] =	ssyncset.done $0x0  }
0x17b: {  	s15 =	rddreg [dreg:$0xe];
	[sflag:s30] =	ssyncadd.s32 $0xFFFFF800  }
0x17c: {  	[tilespmem:s14], [sflag:$0x2] =	stream.linear.gather [hbm4b:s15+s14], $0x80, $0x38;
	[tilespmem:$0x8A10] =	vst v63  }
0x17d: {  	_ =	swait.ge [sflag:s30], $0x80  }
0x17e: {  	[sflag:s30] =	ssyncset.done $0x0  }
0x17f: {  	s17 =	rddreg [dreg:$0xf];
	[sflag:s30] =	ssyncadd.s32 $0xFFFFFF80  }
0x180: {  	[tilespmem:s31], [sflag:$0x2] =	stream.linear.gather [hbm4b:s17+s14], $0x80, $0x38;
	[tilespmem:$0x8A10] =	vst v63  }
0x181: {  	_ =	swait.ge [sflag:s30], $0x80  }
0x182: {  	[sflag:s30] =	ssyncset.done $0x0  }
0x183: {  	s16 =	rddreg [dreg:$0x10];
	[sflag:s30] =	ssyncadd.s32 $0xFFFFFF80  }
0x184: {  	[tilespmem:s0], [sflag:$0x2] =	stream.linear.gather [hbm4b:s16+s14], $0x80, $0x38;
	[tilespmem:$0x8A10] =	vst v63  }
0x185: {  	_ =	swait.ge [sflag:s30], $0x80  }
0x186: {  	[sflag:s30] =	ssyncset.done $0x0  }
0x187: {  	s17 =	rddreg [dreg:$0x11];
	[sflag:s30] =	ssyncadd.s32 $0xFFFFFF80  }
0x188: {  	[tilespmem:s1], [sflag:$0x2] =	stream.linear.gather [hbm4b:s17+s14], $0x80, $0x38;
	[tilespmem:$0x8A10] =	vst v63  }
0x189: {  	_ =	swait.ge [sflag:s30], $0x80  }
0x18a: {  	[sflag:s30] =	ssyncset.done $0x0  }
0x18b: {  	[sflag:s30] =	ssyncadd.s32 $0xFFFFFF80  }
0x18c: {  	[tilespmem:s2], [sflag:$0x1] =	stream.indirect.gather [hbm4b:s23+s31], $0x20, s14, s31, $0xb8;
	[tilespmem:$0x8A10] =	vst v63  }
0x18d: {  	_ = 	snop  }
0x18e: {  	[tilespmem:s3], [sflag:$0x1] =	stream.indirect.gather [hbm4b:s24+s31], $0x20, s14, s31, $0xb8;
	[tilespmem:$0x8A10] =	vst v63  }
0x18f: {  	_ = 	snop  }
0x190: {  	[tilespmem:s4], [sflag:$0x1] =	stream.indirect.gather [hbm4b:s23+s31], $0x20, s0, s31, $0xb8;
	[tilespmem:$0x8A10] =	vst v63  }
0x191: {  	_ = 	snop  }
0x192: {  	[tilespmem:s5], [sflag:$0x1] =	stream.indirect.gather [hbm4b:s24+s31], $0x20, s0, s31, $0xb8;
	[tilespmem:$0x8A10] =	vst v63  }
0x193: {  	_ = 	snop  }
0x194: {  	[tilespmem:s6], [sflag:$0x1] =	stream.indirect.gather [hbm4b:s23+s31], $0x20, s1, s31, $0xb8;
	[tilespmem:$0x8A10] =	vst v63  }
0x195: {  	_ = 	snop  }
0x196: {  	[tilespmem:s7], [sflag:$0x1] =	stream.indirect.gather [hbm4b:s24+s31], $0x20, s1, s31, $0xb8;
	[tilespmem:$0x8A10] =	vst v63  }
0x197: {  	_ = 	snop  }
0x198: {  	[tilespmem:s8], [sflag:$0x1] =	stream.indirect.gather [hbm4b:s25+s31], $0x20, s31, s31, $0xb8;
	[tilespmem:$0x8A10] =	vst v63  }
0x199: {  	_ = 	snop  }
0x19a: {  	[tilespmem:s9], [sflag:$0x1] =	stream.indirect.gather [hbm4b:s26+s31], $0x20, s31, s31, $0xb8;
	[tilespmem:$0x8A10] =	vst v63  }
0x19b: {  	_ =	swait.ge [sflag:s10], $0x1000  }
0x19c: {  	[sflag:s10] =	ssyncset.done $0x0  }
0x19d: {  	[sflag:s10] =	ssyncadd.s32 $0xFFFFF000  }
0x19e: {  	_ =	swait.ge [sflag:s10], $0x1000  }
0x19f: {  	[sflag:s10] =	ssyncset.done $0x0  }
0x1a0: {  	[sflag:s10] =	ssyncadd.s32 $0xFFFFF000  }
0x1a1: {  	_ =	swait.ge [sflag:s10], $0x1000  }
0x1a2: {  	[sflag:s10] =	ssyncset.done $0x0  }
0x1a3: {  	[sflag:s10] =	ssyncadd.s32 $0xFFFFF000  }
0x1a4: {  	_ =	swait.ge [sflag:s10], $0x1000  }
0x1a5: {  	[sflag:s10] =	ssyncset.done $0x0  }
0x1a6: {  	[sflag:s10] =	ssyncadd.s32 $0xFFFFF000  }
0x1a7: {  	_ =	swait.ge [sflag:s10], $0x1000  }
0x1a8: {  	[sflag:s10] =	ssyncset.done $0x0  }
0x1a9: {  	[sflag:s10] =	ssyncadd.s32 $0xFFFFF000  }
0x1aa: {  	_ =	swait.ge [sflag:s10], $0x1000  }
0x1ab: {  	[sflag:s10] =	ssyncset.done $0x0  }
0x1ac: {  	[sflag:s10] =	ssyncadd.s32 $0xFFFFF000  }
0x1ad: {  	_ =	swait.ge [sflag:s10], $0x1000  }
0x1ae: {  	[sflag:s10] =	ssyncset.done $0x0  }
0x1af: {  	[sflag:s10] =	ssyncadd.s32 $0xFFFFF000  }
0x1b0: {  	v17 =	vmul.f32 v17, v17;
	v25 =	vadd.f32 v25, v27;
	_ =	swait.ge [sflag:s10], $0x1000  }
0x1b1: {  	[sflag:s10] =	ssyncset.done $0x0  }
0x1b2: {  	v10 =	vmul.f32 v10, v10;
	v17 =	vadd.f32 v17, v25;
	s16 =	simm.s32 $0x0;
	[sflag:s10] =	ssyncadd.s32 $0xFFFFF000  }
0x1b3: {  	v25 =	vld [tilespmem:s16+$0x7200]  }
0x1b4: {  	v10 =	vadd.f32 v10, v17;
	v17 =	vmul.f32 v19, v19;
	v48 =	vld [tilespmem:s16+$0x5200]  }
0x1b5: {  	v30 =	vmul.f32 v30, v30;
	v31 =	vmul.f32 v31, v31;
	v19 =	vld [tilespmem:s16+$0x6200]  }
0x1b6: {  	v9 =	vmul.f32 v9, v9;
	v10 =	vadd.f32 v17, v10;
	v27 =	vld [tilespmem:s16+$0x6210]  }
0x1b7: {  	v17 =	vmul.f32 v32, v32;
	v30 =	vadd.f32 v31, v30;
	v31 =	vld [tilespmem:s16+$0x4200]  }
0x1b8: {  	v9 =	vadd.f32 v9, v10;
	v10 =	vmul.f32 v12, v12;
	v12 =	vld [tilespmem:s16+$0x3200]  }
0x1b9: {  	v17 =	vadd.f32 v17, v30;
	v30 =	vmul.f32 v33, v33;
	v49 =	vld [tilespmem:s16+$0x2200]  }
0x1ba: {  	v9 =	vadd.f32 v10, v9;
	v10 =	vmul.f32 v1, v1;
	v1 =	vld [tilespmem:s16+$0x7210]  }
0x1bb: {  	v29 =	vmul.f32 v29, v29;
	v17 =	vadd.f32 v30, v17;
	v30 =	vld [tilespmem:s16+$0x200]  }
0x1bc: {  	v9 =	vadd.f32 v10, v9;
	v10 =	vmul.f32 v11, v11;
	v11 =	vld [tilespmem:s16+$0x1200]  }
0x1bd: {  	v17 =	vadd.f32 v29, v17;
	v29 =	vmul.f32 v34, v34;
	v50 =	vld [tilespmem:s16+$0x210]  }
0x1be: {  	v7 =	vmul.f32 v7, v7;
	v9 =	vadd.f32 v10, v9;
	v10 =	vld [tilespmem:s16+$0x1210]  }
0x1bf: {  	v28 =	vmul.f32 v28, v28;
	v17 =	vadd.f32 v29, v17;
	v29 =	vld [tilespmem:s16+$0x5210]  }
0x1c0: {  	v7 =	vadd.f32 v7, v9;
	v9 =	vld [tilespmem:s16+$0x3210]  }
0x1c1: {  	v17 =	vadd.f32 v28, v17;
	v28 =	vld [tilespmem:s16+$0x2210]  }
0x1c2: {  	v8 =	vmul.f32 v8, v8;
	v26 =	vmul.f32 v26, v26;
	v54 =	vld [tilespmem:s16+$0x4210]  }
0x1c3: {  	v13 =	vadd.f32 v20, v13;
	v20 =	vmul.f32 v19, v30;
	v51 =	vmul.f32 v25, v11  }
0x1c4: {  	v53 =	vmul.f32 v25, v30;
	v55 =	vmul.f32 v19, v11  }
0x1c5: {  	v52 =	vsub.f32 v48, v12;
	v56 =	vmul.f32 v27, v10;
	v57 =	vmul.f32 v1, v50  }
0x1c6: {  	v58 =	vmul.f32 v27, v50;
	v59 =	vmul.f32 v1, v10;
	v60 =	vsub.f32 v31, v49  }
0x1c7: {  	v30 =	vmul.f32 v30, v30;
	v61 =	vsub.f32 v29, v9;
	v62 =	vsub.f32 v54, v28  }
0x1c8: {  	v33 =	vmul.f32 v50, v50;
	v20 =	vsub.f32 v20, v51;
	v37 =	vadd.f32 v53, v55  }
0x1c9: {  	v11 =	vmul.f32 v11, v11;
	v40 =	vadd.f32 v57, v56;
	v34 =	vsub.f32 v58, v59  }
0x1ca: {  	v30 =	vadd.f32 v33, v30;
	v20 =	vmul.f32 v60, v20;
	v36 =	vmul.f32 v52, v37  }
0x1cb: {  	v17 =	vadd.f32 v26, v17;
	v26 =	vmul.f32 v61, v40;
	v63 =	vmul.f32 v62, v34  }
0x1cc: {  	v5 =	vmul.f32 v5, v5;
	v23 =	vmul.f32 v23, v23;
	v11 =	vadd.f32 v11, v30  }
0x1cd: {  	v10 =	vmul.f32 v10, v10;
	v20 =	vadd.f32 v36, v20;
	v26 =	vadd.f32 v26, v63  }
0x1ce: {  	v7 =	vadd.f32 v8, v7;
	v8 =	vadd.f32 v23, v17;
	v17 =	vmul.f32 v24, v24  }
0x1cf: {  	v10 =	vadd.f32 v10, v11;
	v11 =	vadd.f32 v26, v20;
	v20 =	vmul.f32 v49, v49  }
0x1d0: {  	v3 =	vmul.f32 v3, v3;
	v8 =	vadd.f32 v17, v8;
	v17 =	vmul.f32 v21, v21  }
0x1d1: {  	v6 =	vmul.f32 v6, v6;
	v10 =	vadd.f32 v20, v10;
	v20 =	vmul.f32 v28, v28  }
0x1d2: {  	s17 =	simm.s32 $0x20;
	[tilespmem:s13+$0x0] =	vst v11;
	v11 =	vadd.f32 v7, v5;
	v5 =	vadd.f32 v17, v8;
	v8 =	vmul.f32 v22, v22  }
0x1d3: {  	v21 =	vmul.f32 v0, v0;
	v12 =	vmul.f32 v12, v12;
	v0 =	vld [tilespmem:s17+$0x7200];
	v10 =	vadd.f32 v20, v10  }
0x1d4: {  	v18 =	vmul.f32 v18, v18;
	v9 =	vmul.f32 v9, v9;
	v7 =	vld [tilespmem:s17+$0x5200];
	v8 =	vadd.f32 v8, v5  }
0x1d5: {  	v17 =	vmul.f32 v2, v2;
	v2 =	vld [tilespmem:s17+$0x6210];
	v3 =	vadd.f32 v11, v3;
	v10 =	vadd.f32 v12, v10  }
0x1d6: {  	v5 =	vld [tilespmem:s17+$0x6200];
	v11 =	vadd.f32 v13, v21;
	v13 =	vmul.f32 v16, v16;
	v12 =	vadd.f32 v8, v18  }
0x1d7: {  	v8 =	vld [tilespmem:s17+$0x4200];
	v3 =	vadd.f32 v3, v17;
	v17 =	vmul.f32 v31, v31;
	v16 =	vadd.f32 v9, v10  }
0x1d8: {  	v15 =	vmul.f32 v15, v15;
	v11 =	vadd.f32 v11, v4;
	v4 =	vld [tilespmem:s17+$0x7210];
	v12 =	vadd.f32 v12, v13  }
0x1d9: {  	v18 =	vld [tilespmem:s17+$0x1200];
	v13 =	vadd.f32 v17, v16;
	v16 =	vmul.f32 v54, v54  }
0x1da: {  	v9 =	vld [tilespmem:s17+$0x3200];
	v3 =	vadd.f32 v3, v6;
	v6 =	vadd.f32 v12, v15;
	v12 =	vmul.f32 v14, v14  }
0x1db: {  	v10 =	vld [tilespmem:s17+$0x2200];
	v15 =	vmul.f32 v48, v48;
	v13 =	vadd.f32 v16, v13  }
0x1dc: {  	v14 =	vld [tilespmem:s17+$0x200];
	v3 =	vadd.f32 v3, v11;
	v6 =	vadd.f32 v6, v12  }
0x1dd: {  	v16 =	vld [tilespmem:s17+$0x210];
	v12 =	vmul.f32 v29, v29;
	v11 =	vadd.f32 v15, v13  }
0x1de: {  	v20 =	vmul.f32 v27, v27;
	v17 =	vld [tilespmem:s17+$0x1210];
	v27 =	vmul.f32 v0, v18;
	v3 =	vadd.f32 v6, v3  }
0x1df: {  	v6 =	vld [tilespmem:s17+$0x5210];
	v15 =	vmul.f32 v19, v19;
	v13 =	vmul.f32 v25, v25;
	v11 =	vadd.f32 v12, v11  }
0x1e0: {  	v23 =	vsub.f32 v7, v9;
	v25 =	vmul.f32 v18, v18;
	v18 =	vmul.f32 v5, v18;
	v12 =	vld [tilespmem:s17+$0x3210]  }
0x1e1: {  	v19 =	vld [tilespmem:s17+$0x2210];
	v21 =	vmul.f32 v5, v14;
	v22 =	vmul.f32 v0, v14;
	v15 =	vadd.f32 v11, v15  }
0x1e2: {  	v26 =	vmul.f32 v14, v14;
	v14 =	vsub.f32 v8, v10;
	v24 =	vmul.f32 v2, v16;
	v11 =	vld [tilespmem:s17+$0x4210]  }
0x1e3: {  	v28 =	vmul.f32 v4, v16;
	v20 =	vadd.f32 v15, v20;
	v15 =	vmul.f32 v2, v17  }
0x1e4: {  	v21 =	vsub.f32 v21, v27;
	v27 =	vmul.f32 v4, v17;
	v22 =	vadd.f32 v22, v18  }
0x1e5: {  	v30 =	vmul.f32 v16, v16;
	v29 =	vsub.f32 v6, v12;
	v28 =	vadd.f32 v28, v15  }
0x1e6: {  	s15 =	simm.s32 $0x180;
	v18 =	vsub.f32 v24, v27;
	v14 =	vmul.f32 v14, v21;
	v15 =	vmul.f32 v23, v22  }
0x1e7: {  	s14 =	simm.s32 $0x40;
	s16 =	simm.s32 $0x8210;
	s13 =	simm.s32 $0x8210;
	v21 =	vsub.f32 v11, v19;
	v16 =	vmul.f32 v29, v28;
	v28 =	vadd.f32 v30, v26  }
.LBB2_6:
0x1e8: {  	p0 =	sne.s32 s15, $0x3F80  }
0x1e9: {  	v18 =	vmul.f32 v21, v18;
	s13 =	sadd.s32 $0x10, s13;
	v13 =	vadd.f32 v20, v13;
	s17 =	smov.u32 s15;
	s15 =	sadd.s32 $0x80, s15  }
0x1ea: {  	v17 =	vmul.f32 v17, v17;
	v21 =	vmul.f32 v1, v1;
	v1 =	vmovc v4;
	v20 =	vadd.f32 v25, v28  }
0x1eb: {  	v4 =	vadd.f32 v15, v14;
	v14 =	vadd.f32 v16, v18  }
0x1ec: {  	v10 =	vmul.f32 v10, v10;
	v13 =	vadd.f32 v13, v21;
	v15 =	vadd.f32 v17, v20  }
0x1ed: {  	v4 =	vadd.f32 v14, v4  }
0x1ee: {  	v14 =	vmul.f32 v19, v19;
	v3 =	vadd.f32 v13, v3;
	v10 =	vadd.f32 v10, v15  }
0x1ef: {  	[tilespmem:s16+$0x0] =	vst v4;
	s16 =	smov.u32 s13  }
0x1f0: {  	v9 =	vmul.f32 v9, v9;
	v15 =	vld [tilespmem:s14+$0x7200];
	v4 =	vadd.f32 v14, v10  }
0x1f1: {  	v13 =	vld [tilespmem:s14+$0x5200]  }
0x1f2: {  	v14 =	vld [tilespmem:s14+$0x6200];
	v4 =	vadd.f32 v9, v4;
	v9 =	vmul.f32 v12, v12  }
0x1f3: {  	v16 =	vld [tilespmem:s14+$0x6210]  }
0x1f4: {  	v12 =	vmul.f32 v8, v8;
	v4 =	vadd.f32 v9, v4;
	v8 =	vld [tilespmem:s14+$0x4200]  }
0x1f5: {  	v9 =	vld [tilespmem:s14+$0x3200]  }
0x1f6: {  	v11 =	vmul.f32 v11, v11;
	v10 =	vld [tilespmem:s14+$0x2200];
	v12 =	vadd.f32 v12, v4  }
0x1f7: {  	v4 =	vld [tilespmem:s14+$0x7210]  }
0x1f8: {  	v18 =	vld [tilespmem:s14+$0x200];
	v11 =	vadd.f32 v11, v12;
	v12 =	vmul.f32 v7, v7;
	v7 =	vmov v13  }
0x1f9: {  	v21 =	vld [tilespmem:s14+$0x210]  }
0x1fa: {  	v20 =	vld [tilespmem:s14+$0x1200];
	v22 =	vsub.f32 v7, v9;
	v11 =	vadd.f32 v12, v11;
	v12 =	vmul.f32 v6, v6  }
0x1fb: {  	v17 =	vld [tilespmem:s14+$0x1210];
	v23 =	vsub.f32 v8, v10  }
0x1fc: {  	v24 =	vmul.f32 v5, v5;
	v13 =	vmul.f32 v0, v0;
	v0 =	vmovc v15;
	v6 =	vld [tilespmem:s14+$0x5210];
	v11 =	vadd.f32 v12, v11  }
0x1fd: {  	s17 =	sshra.s32 s17, $0x2;
	v5 =	vmov v14;
	v12 =	vld [tilespmem:s14+$0x3210];
	v15 =	vmul.f32 v14, v18;
	v26 =	vmul.f32 v0, v18  }
0x1fe: {  	v27 =	vmul.f32 v2, v2;
	v2 =	vmovc v16;
	v19 =	vld [tilespmem:s14+$0x2210];
	v14 =	vmul.f32 v16, v21;
	v24 =	vadd.f32 v11, v24  }
0x1ff: {  	v28 =	vmul.f32 v18, v18;
	v11 =	vld [tilespmem:s14+$0x4210];
	v25 =	vmul.f32 v20, v20;
	s14 =	smov.u32 s17  }
0x200: {  	v16 =	vmul.f32 v0, v20;
	v18 =	vmul.f32 v5, v20;
	v20 =	vadd.f32 v24, v27  }
.Ltmp2:
0x201: {  	v24 =	vmul.f32 v2, v17;
	v27 =	vmul.f32 v4, v21;
	(pc) =	sbr.rel @p0 .LBB2_6-.Ltmp2, $4  }
0x202: {  	v15 =	vsub.f32 v15, v16;
	v16 =	vmul.f32 v4, v17;
	v29 =	vsub.f32 v6, v12  }
0x203: {  	v26 =	vadd.f32 v26, v18;
	v24 =	vadd.f32 v27, v24;
	v27 =	vmul.f32 v21, v21  }
0x204: {  	v18 =	vsub.f32 v14, v16;
	v14 =	vmul.f32 v23, v15;
	v21 =	vsub.f32 v11, v19  }
0x205: {  	v15 =	vmul.f32 v22, v26;
	v16 =	vmul.f32 v29, v24;
	v28 =	vadd.f32 v27, v28  }
0x206: {  	v18 =	vmul.f32 v21, v18;
	_ =	sdelay $0x1  }
0x207: {  	v14 =	vadd.f32 v15, v14;
	v15 =	vadd.f32 v16, v18;
	_ =	sdelay $0x1  }
0x208: {  	v14 =	vadd.f32 v15, v14;
	_ =	sdelay $0x1  }
0x209: {  	[tilespmem:s16+$0x0] =	vst v14  }
0x20a: {  	v15 =	vld [tilespmem:s14+$0x7200]  }
0x20b: {  	v21 =	vld [tilespmem:s14+$0x5200]  }
0x20c: {  	v18 =	vld [tilespmem:s14+$0x6200]  }
0x20d: {  	v16 =	vld [tilespmem:s14+$0x6210]  }
0x20e: {  	v23 =	vld [tilespmem:s14+$0x4200]  }
0x20f: {  	v27 =	vld [tilespmem:s14+$0x3200]  }
0x210: {  	v29 =	vld [tilespmem:s14+$0x2200]  }
0x211: {  	v14 =	vld [tilespmem:s14+$0x7210]  }
0x212: {  	v30 =	vld [tilespmem:s14+$0x200]  }
0x213: {  	v31 =	vld [tilespmem:s14+$0x210]  }
0x214: {  	v32 =	vld [tilespmem:s14+$0x1200]  }
0x215: {  	v33 =	vld [tilespmem:s14+$0x1210]  }
0x216: {  	v22 =	vld [tilespmem:s14+$0x5210]  }
0x217: {  	v26 =	vld [tilespmem:s14+$0x3210]  }
0x218: {  	v34 =	vld [tilespmem:s14+$0x2210]  }
0x219: {  	v24 =	vld [tilespmem:s14+$0x4210]  }
0x21a: {  	v36 =	vmul.f32 v18, v30  }
0x21b: {  	v37 =	vmul.f32 v15, v32;
	v39 =	vmul.f32 v15, v30  }
0x21c: {  	v35 =	vsub.f32 v21, v27;
	v40 =	vmul.f32 v18, v32;
	v41 =	vmul.f32 v16, v33  }
0x21d: {  	v38 =	vsub.f32 v23, v29;
	v42 =	vmul.f32 v14, v31;
	v48 =	vmul.f32 v16, v31  }
0x21e: {  	v49 =	vmul.f32 v14, v33;
	v50 =	vsub.f32 v22, v26;
	v51 =	vsub.f32 v24, v34  }
0x21f: {  	v36 =	vsub.f32 v36, v37;
	v39 =	vadd.f32 v39, v40  }
0x220: {  	v41 =	vadd.f32 v42, v41;
	v37 =	vsub.f32 v48, v49  }
0x221: {  	v36 =	vmul.f32 v38, v36;
	v35 =	vmul.f32 v35, v39  }
0x222: {  	v52 =	vmul.f32 v50, v41;
	v37 =	vmul.f32 v51, v37;
	_ =	sdelay $0x1  }
0x223: {  	v35 =	vadd.f32 v35, v36;
	v53 =	vadd.f32 v52, v37;
	_ =	sdelay $0x1  }
0x224: {  	v35 =	vadd.f32 v53, v35  }
0x225: {  	s13 =	sadd.s32 $0x10, s13  }
0x226: {  	s14 =	simm.s32 $0x0;
	[tilespmem:s13+$0x0] =	vst v35;
	s13 =	simm.s32 $0x8200  }
0x227: {  	[hbm4b:s20+s14] =	stream.linear.scatter [tilespmem:s13], [sflag:$0x2], $0x800, $0x38;
	[tilespmem:$0x8A10] =	vst v63  }
0x228: {  	_ =	swait.ge [sflag:s30], $0x800  }
0x229: {  	[sflag:s30] =	ssyncset.done $0x0  }
0x22a: {  	s15 =	rddreg [dreg:$0x12];
	[sflag:s30] =	ssyncadd.s32 $0xFFFFF800  }
0x22b: {  	[tilespmem:s14], [sflag:$0x2] =	stream.linear.gather [hbm4b:s15+s14], $0x80, $0x38;
	[tilespmem:$0x8A10] =	vst v63  }
0x22c: {  	_ =	swait.ge [sflag:s30], $0x80  }
0x22d: {  	[sflag:s30] =	ssyncset.done $0x0  }
0x22e: {  	s17 =	rddreg [dreg:$0x13];
	[sflag:s30] =	ssyncadd.s32 $0xFFFFFF80  }
0x22f: {  	[tilespmem:s31], [sflag:$0x2] =	stream.linear.gather [hbm4b:s17+s14], $0x80, $0x38;
	[tilespmem:$0x8A10] =	vst v63  }
0x230: {  	_ =	swait.ge [sflag:s30], $0x80  }
0x231: {  	[sflag:s30] =	ssyncset.done $0x0  }
0x232: {  	s16 =	rddreg [dreg:$0x14];
	[sflag:s30] =	ssyncadd.s32 $0xFFFFFF80  }
0x233: {  	[tilespmem:s0], [sflag:$0x2] =	stream.linear.gather [hbm4b:s16+s14], $0x80, $0x38;
	[tilespmem:$0x8A10] =	vst v63  }
0x234: {  	_ =	swait.ge [sflag:s30], $0x80  }
0x235: {  	[sflag:s30] =	ssyncset.done $0x0  }
0x236: {  	s17 =	rddreg [dreg:$0x15];
	[sflag:s30] =	ssyncadd.s32 $0xFFFFFF80  }
0x237: {  	[tilespmem:s1], [sflag:$0x2] =	stream.linear.gather [hbm4b:s17+s14], $0x80, $0x38;
	[tilespmem:$0x8A10] =	vst v63  }
0x238: {  	_ =	swait.ge [sflag:s30], $0x80  }
0x239: {  	[sflag:s30] =	ssyncset.done $0x0  }
0x23a: {  	[sflag:s30] =	ssyncadd.s32 $0xFFFFFF80  }
0x23b: {  	[tilespmem:s2], [sflag:$0x1] =	stream.indirect.gather [hbm4b:s23+s31], $0x20, s14, s31, $0xb8;
	[tilespmem:$0x8A10] =	vst v63  }
0x23c: {  	_ = 	snop  }
0x23d: {  	[tilespmem:s3], [sflag:$0x1] =	stream.indirect.gather [hbm4b:s24+s31], $0x20, s14, s31, $0xb8;
	[tilespmem:$0x8A10] =	vst v63  }
0x23e: {  	_ = 	snop  }
0x23f: {  	[tilespmem:s4], [sflag:$0x1] =	stream.indirect.gather [hbm4b:s23+s31], $0x20, s0, s31, $0xb8;
	[tilespmem:$0x8A10] =	vst v63  }
0x240: {  	_ = 	snop  }
0x241: {  	[tilespmem:s5], [sflag:$0x1] =	stream.indirect.gather [hbm4b:s24+s31], $0x20, s0, s31, $0xb8;
	[tilespmem:$0x8A10] =	vst v63  }
0x242: {  	_ = 	snop  }
0x243: {  	[tilespmem:s6], [sflag:$0x1] =	stream.indirect.gather [hbm4b:s23+s31], $0x20, s1, s31, $0xb8;
	[tilespmem:$0x8A10] =	vst v63  }
0x244: {  	_ = 	snop  }
0x245: {  	[tilespmem:s7], [sflag:$0x1] =	stream.indirect.gather [hbm4b:s24+s31], $0x20, s1, s31, $0xb8;
	[tilespmem:$0x8A10] =	vst v63  }
0x246: {  	_ = 	snop  }
0x247: {  	[tilespmem:s8], [sflag:$0x1] =	stream.indirect.gather [hbm4b:s25+s31], $0x20, s31, s31, $0xb8;
	[tilespmem:$0x8A10] =	vst v63  }
0x248: {  	_ = 	snop  }
0x249: {  	[tilespmem:s9], [sflag:$0x1] =	stream.indirect.gather [hbm4b:s26+s31], $0x20, s31, s31, $0xb8;
	[tilespmem:$0x8A10] =	vst v63  }
0x24a: {  	_ =	swait.ge [sflag:s10], $0x1000  }
0x24b: {  	[sflag:s10] =	ssyncset.done $0x0  }
0x24c: {  	[sflag:s10] =	ssyncadd.s32 $0xFFFFF000  }
0x24d: {  	_ =	swait.ge [sflag:s10], $0x1000  }
0x24e: {  	[sflag:s10] =	ssyncset.done $0x0  }
0x24f: {  	[sflag:s10] =	ssyncadd.s32 $0xFFFFF000  }
0x250: {  	_ =	swait.ge [sflag:s10], $0x1000  }
0x251: {  	[sflag:s10] =	ssyncset.done $0x0  }
0x252: {  	[sflag:s10] =	ssyncadd.s32 $0xFFFFF000  }
0x253: {  	_ =	swait.ge [sflag:s10], $0x1000  }
0x254: {  	[sflag:s10] =	ssyncset.done $0x0  }
0x255: {  	[sflag:s10] =	ssyncadd.s32 $0xFFFFF000  }
0x256: {  	_ =	swait.ge [sflag:s10], $0x1000  }
0x257: {  	[sflag:s10] =	ssyncset.done $0x0  }
0x258: {  	[sflag:s10] =	ssyncadd.s32 $0xFFFFF000  }
0x259: {  	_ =	swait.ge [sflag:s10], $0x1000  }
0x25a: {  	[sflag:s10] =	ssyncset.done $0x0  }
0x25b: {  	[sflag:s10] =	ssyncadd.s32 $0xFFFFF000  }
0x25c: {  	_ =	swait.ge [sflag:s10], $0x1000  }
0x25d: {  	[sflag:s10] =	ssyncset.done $0x0  }
0x25e: {  	[sflag:s10] =	ssyncadd.s32 $0xFFFFF000  }
0x25f: {  	v17 =	vmul.f32 v17, v17;
	v25 =	vadd.f32 v25, v28;
	_ =	swait.ge [sflag:s10], $0x1000  }
0x260: {  	[sflag:s10] =	ssyncset.done $0x0  }
0x261: {  	v10 =	vmul.f32 v10, v10;
	v25 =	vadd.f32 v17, v25;
	s16 =	simm.s32 $0x0;
	[sflag:s10] =	ssyncadd.s32 $0xFFFFF000  }
0x262: {  	v17 =	vld [tilespmem:s16+$0x7200]  }
0x263: {  	v19 =	vmul.f32 v19, v19;
	v10 =	vadd.f32 v10, v25;
	v28 =	vld [tilespmem:s16+$0x5200]  }
0x264: {  	v30 =	vmul.f32 v30, v30;
	v31 =	vmul.f32 v31, v31;
	v25 =	vld [tilespmem:s16+$0x6200]  }
0x265: {  	v9 =	vmul.f32 v9, v9;
	v10 =	vadd.f32 v19, v10;
	v19 =	vld [tilespmem:s16+$0x6210]  }
0x266: {  	v30 =	vadd.f32 v31, v30;
	v31 =	vld [tilespmem:s16+$0x4200]  }
0x267: {  	v9 =	vadd.f32 v9, v10;
	v10 =	vmul.f32 v12, v12;
	v32 =	vmul.f32 v32, v32;
	v12 =	vld [tilespmem:s16+$0x3200]  }
0x268: {  	v54 =	vmul.f32 v33, v33;
	v33 =	vld [tilespmem:s16+$0x2200]  }
0x269: {  	v9 =	vadd.f32 v10, v9;
	v10 =	vmul.f32 v8, v8;
	v30 =	vadd.f32 v32, v30;
	v8 =	vld [tilespmem:s16+$0x7210]  }
0x26a: {  	v29 =	vmul.f32 v29, v29;
	v55 =	vld [tilespmem:s16+$0x200]  }
0x26b: {  	v9 =	vadd.f32 v10, v9;
	v10 =	vmul.f32 v11, v11;
	v30 =	vadd.f32 v54, v30;
	v11 =	vld [tilespmem:s16+$0x1200]  }
0x26c: {  	v7 =	vmul.f32 v7, v7;
	v57 =	vld [tilespmem:s16+$0x210]  }
0x26d: {  	v56 =	vmul.f32 v34, v34;
	v9 =	vadd.f32 v10, v9;
	v29 =	vadd.f32 v29, v30;
	v10 =	vld [tilespmem:s16+$0x1210]  }
0x26e: {  	v58 =	vld [tilespmem:s16+$0x5210]  }
0x26f: {  	v27 =	vmul.f32 v27, v27;
	v7 =	vadd.f32 v7, v9;
	v29 =	vadd.f32 v56, v29;
	v9 =	vld [tilespmem:s16+$0x3210]  }
0x270: {  	v13 =	vadd.f32 v20, v13;
	v6 =	vmul.f32 v6, v6;
	v60 =	vld [tilespmem:s16+$0x2210]  }
0x271: {  	v26 =	vmul.f32 v26, v26;
	v23 =	vmul.f32 v23, v23;
	v20 =	vadd.f32 v27, v29;
	v44 =	vld [tilespmem:s16+$0x4210]  }
0x272: {  	v59 =	vmul.f32 v25, v55;
	v61 =	vmul.f32 v17, v11  }
0x273: {  	v20 =	vadd.f32 v26, v20;
	v63 =	vmul.f32 v17, v55;
	v45 =	vmul.f32 v25, v11  }
0x274: {  	v62 =	vsub.f32 v28, v12;
	v46 =	vmul.f32 v19, v10;
	v47 =	vmul.f32 v8, v57  }
0x275: {  	v48 =	vmul.f32 v19, v57;
	v49 =	vmul.f32 v8, v10;
	v50 =	vsub.f32 v31, v33  }
0x276: {  	v32 =	vmul.f32 v55, v55;
	v51 =	vsub.f32 v58, v9;
	v52 =	vsub.f32 v44, v60  }
0x277: {  	v34 =	vmul.f32 v57, v57;
	v27 =	vsub.f32 v59, v61;
	v37 =	vadd.f32 v63, v45  }
0x278: {  	v11 =	vmul.f32 v11, v11;
	v40 =	vadd.f32 v47, v46;
	v35 =	vsub.f32 v48, v49  }
0x279: {  	v32 =	vadd.f32 v34, v32;
	v27 =	vmul.f32 v50, v27;
	v36 =	vmul.f32 v62, v37  }
0x27a: {  	v6 =	vadd.f32 v6, v7;
	v53 =	vmul.f32 v51, v40;
	v54 =	vmul.f32 v52, v35  }
0x27b: {  	v7 =	vadd.f32 v23, v20;
	v10 =	vmul.f32 v10, v10;
	v11 =	vadd.f32 v11, v32  }
0x27c: {  	v20 =	vmul.f32 v24, v24;
	v27 =	vadd.f32 v36, v27;
	v26 =	vadd.f32 v53, v54  }
0x27d: {  	v5 =	vmul.f32 v5, v5;
	v23 =	vmul.f32 v33, v33;
	v10 =	vadd.f32 v10, v11  }
0x27e: {  	v7 =	vadd.f32 v20, v7;
	v20 =	vmul.f32 v21, v21;
	v11 =	vadd.f32 v26, v27  }
0x27f: {  	v2 =	vmul.f32 v2, v2;
	v10 =	vadd.f32 v23, v10;
	v23 =	vmul.f32 v60, v60  }
0x280: {  	s17 =	simm.s32 $0x20;
	[tilespmem:s13+$0x0] =	vst v11;
	v11 =	vadd.f32 v6, v5;
	v5 =	vadd.f32 v20, v7;
	v7 =	vmul.f32 v22, v22  }
0x281: {  	v21 =	vmul.f32 v1, v1;
	v12 =	vmul.f32 v12, v12;
	v10 =	vadd.f32 v23, v10;
	v1 =	vld [tilespmem:s17+$0x7200]  }
0x282: {  	v0 =	vmul.f32 v0, v0;
	v18 =	vmul.f32 v18, v18;
	v6 =	vld [tilespmem:s17+$0x5200];
	v7 =	vadd.f32 v7, v5  }
0x283: {  	v9 =	vmul.f32 v9, v9;
	v20 =	vld [tilespmem:s17+$0x210];
	v11 =	vadd.f32 v11, v2;
	v10 =	vadd.f32 v12, v10  }
0x284: {  	v16 =	vmul.f32 v16, v16;
	v5 =	vld [tilespmem:s17+$0x6200];
	v12 =	vadd.f32 v13, v21;
	v13 =	vadd.f32 v7, v18  }
0x285: {  	v2 =	vld [tilespmem:s17+$0x6210];
	v0 =	vadd.f32 v11, v0;
	v11 =	vadd.f32 v9, v10;
	v18 =	vmul.f32 v31, v31  }
0x286: {  	v4 =	vmul.f32 v4, v4;
	v15 =	vmul.f32 v15, v15;
	v7 =	vld [tilespmem:s17+$0x4200];
	v13 =	vadd.f32 v13, v16  }
0x287: {  	v9 =	vld [tilespmem:s17+$0x3200];
	v12 =	vadd.f32 v12, v3;
	v11 =	vadd.f32 v18, v11;
	v16 =	vmul.f32 v44, v44  }
0x288: {  	v10 =	vld [tilespmem:s17+$0x2200];
	v0 =	vadd.f32 v0, v4;
	v4 =	vadd.f32 v13, v15  }
0x289: {  	v18 =	vld [tilespmem:s17+$0x200];
	v13 =	vmul.f32 v14, v14;
	v11 =	vadd.f32 v16, v11;
	v14 =	vmul.f32 v28, v28  }
0x28a: {  	v19 =	vmul.f32 v19, v19;
	v21 =	vmul.f32 v25, v25;
	v0 =	vadd.f32 v0, v12;
	v16 =	vld [tilespmem:s17+$0x1200]  }
0x28b: {  	v3 =	vld [tilespmem:s17+$0x7210];
	v12 =	vmul.f32 v58, v58;
	v4 =	vadd.f32 v4, v13;
	v11 =	vadd.f32 v14, v11  }
0x28c: {  	v63 =	vmul.f32 v20, v20;
	v56 =	vmul.f32 v2, v20;
	v14 =	vld [tilespmem:s17+$0x1210]  }
0x28d: {  	v13 =	vmul.f32 v17, v17;
	v0 =	vadd.f32 v4, v0;
	v4 =	vld [tilespmem:s17+$0x5210];
	v11 =	vadd.f32 v12, v11  }
0x28e: {  	v55 =	vsub.f32 v6, v9;
	v22 =	vmul.f32 v5, v18;
	v23 =	vmul.f32 v1, v18;
	v12 =	vld [tilespmem:s17+$0x3210]  }
0x28f: {  	v15 =	vld [tilespmem:s17+$0x2210];
	v57 =	vmul.f32 v18, v18;
	v17 =	vmul.f32 v16, v16;
	v21 =	vadd.f32 v11, v21  }
0x290: {  	v18 =	vsub.f32 v7, v10;
	v58 =	vmul.f32 v1, v16;
	v59 =	vmul.f32 v5, v16;
	v11 =	vld [tilespmem:s17+$0x4210]  }
0x291: {  	v16 =	vadd.f32 v21, v19;
	v19 =	vmul.f32 v2, v14;
	v21 =	vmul.f32 v3, v20  }
0x292: {  	v22 =	vsub.f32 v22, v58;
	v60 =	vmul.f32 v3, v14;
	v28 =	vadd.f32 v23, v59  }
0x293: {  	v61 =	vsub.f32 v4, v12;
	v62 =	vadd.f32 v21, v19  }
0x294: {  	s15 =	simm.s32 $0x180;
	v18 =	vmul.f32 v18, v22;
	v22 =	vadd.f32 v63, v57;
	v21 =	vsub.f32 v56, v60  }
0x295: {  	s14 =	simm.s32 $0x40;
	s16 =	simm.s32 $0x8210;
	s13 =	simm.s32 $0x8210;
	v19 =	vmul.f32 v55, v28;
	v23 =	vsub.f32 v11, v15;
	v20 =	vmul.f32 v61, v62  }
.LBB2_8:
0x296: {  	p0 =	sne.s32 s15, $0x3F80  }
0x297: {  	v21 =	vmul.f32 v23, v21;
	s13 =	sadd.s32 $0x10, s13;
	v13 =	vadd.f32 v16, v13;
	s17 =	smov.u32 s15;
	s15 =	sadd.s32 $0x80, s15  }
0x298: {  	v14 =	vmul.f32 v14, v14;
	v16 =	vadd.f32 v17, v22;
	v17 =	vmul.f32 v8, v8;
	v8 =	vmovc v3  }
0x299: {  	v3 =	vadd.f32 v19, v18;
	v18 =	vadd.f32 v20, v21  }
0x29a: {  	v10 =	vmul.f32 v10, v10;
	v14 =	vadd.f32 v14, v16;
	v13 =	vadd.f32 v13, v17  }
0x29b: {  	v3 =	vadd.f32 v18, v3  }
0x29c: {  	v10 =	vadd.f32 v10, v14;
	v14 =	vmul.f32 v15, v15;
	v0 =	vadd.f32 v13, v0  }
0x29d: {  	[tilespmem:s16+$0x0] =	vst v3;
	s16 =	smov.u32 s13  }
0x29e: {  	v9 =	vmul.f32 v9, v9;
	v15 =	vld [tilespmem:s14+$0x7200];
	v3 =	vadd.f32 v14, v10  }
0x29f: {  	v13 =	vld [tilespmem:s14+$0x5200]  }
0x2a0: {  	v16 =	vld [tilespmem:s14+$0x6200];
	v3 =	vadd.f32 v9, v3;
	v9 =	vmul.f32 v12, v12  }
0x2a1: {  	v17 =	vld [tilespmem:s14+$0x6210]  }
0x2a2: {  	v12 =	vmul.f32 v7, v7;
	v3 =	vadd.f32 v9, v3;
	v7 =	vld [tilespmem:s14+$0x4200]  }
0x2a3: {  	v9 =	vld [tilespmem:s14+$0x3200]  }
0x2a4: {  	v11 =	vmul.f32 v11, v11;
	v10 =	vld [tilespmem:s14+$0x2200];
	v12 =	vadd.f32 v12, v3  }
0x2a5: {  	v3 =	vld [tilespmem:s14+$0x7210]  }
0x2a6: {  	v18 =	vld [tilespmem:s14+$0x200];
	v11 =	vadd.f32 v11, v12;
	v12 =	vmul.f32 v6, v6;
	v6 =	vmov v13  }
0x2a7: {  	v19 =	vld [tilespmem:s14+$0x210]  }
0x2a8: {  	v20 =	vld [tilespmem:s14+$0x1200];
	v22 =	vsub.f32 v6, v9;
	v11 =	vadd.f32 v12, v11;
	v12 =	vmul.f32 v4, v4  }
0x2a9: {  	v14 =	vld [tilespmem:s14+$0x1210];
	v23 =	vsub.f32 v7, v10  }
0x2aa: {  	v21 =	vmul.f32 v5, v5;
	v13 =	vmul.f32 v1, v1;
	v1 =	vmovc v15;
	v4 =	vld [tilespmem:s14+$0x5210];
	v11 =	vadd.f32 v12, v11  }
0x2ab: {  	s17 =	sshra.s32 s17, $0x2;
	v5 =	vmov v16;
	v12 =	vld [tilespmem:s14+$0x3210];
	v24 =	vmul.f32 v16, v18;
	v25 =	vmul.f32 v1, v18  }
0x2ac: {  	v15 =	vld [tilespmem:s14+$0x2210];
	v26 =	vmul.f32 v17, v19;
	v16 =	vadd.f32 v11, v21;
	v21 =	vmul.f32 v2, v2;
	v2 =	vmovc v17  }
0x2ad: {  	v27 =	vmul.f32 v18, v18;
	v11 =	vld [tilespmem:s14+$0x4210];
	v17 =	vmul.f32 v20, v20;
	s14 =	smov.u32 s17  }
0x2ae: {  	v18 =	vmul.f32 v1, v20;
	v20 =	vmul.f32 v5, v20;
	v16 =	vadd.f32 v16, v21  }
.Ltmp3:
0x2af: {  	v28 =	vmul.f32 v3, v19;
	v21 =	vmul.f32 v2, v14;
	(pc) =	sbr.rel @p0 .LBB2_8-.Ltmp3, $4  }
0x2b0: {  	v18 =	vsub.f32 v24, v18;
	v24 =	vmul.f32 v3, v14;
	v29 =	vsub.f32 v4, v12  }
0x2b1: {  	v20 =	vadd.f32 v25, v20;
	v25 =	vadd.f32 v28, v21;
	v28 =	vmul.f32 v19, v19  }
0x2b2: {  	v21 =	vsub.f32 v26, v24;
	v18 =	vmul.f32 v23, v18;
	v23 =	vsub.f32 v11, v15  }
0x2b3: {  	v19 =	vmul.f32 v22, v20;
	v20 =	vmul.f32 v29, v25;
	v22 =	vadd.f32 v28, v27  }
0x2b4: {  	v21 =	vmul.f32 v23, v21;
	_ =	sdelay $0x1  }
0x2b5: {  	v18 =	vadd.f32 v19, v18;
	v59 =	vadd.f32 v20, v21;
	_ =	sdelay $0x1  }
0x2b6: {  	v18 =	vadd.f32 v59, v18;
	_ =	sdelay $0x1  }
0x2b7: {  	[tilespmem:s16+$0x0] =	vst v18  }
0x2b8: {  	v18 =	vld [tilespmem:s14+$0x200]  }
0x2b9: {  	v60 =	vld [tilespmem:s14+$0x210]  }
0x2ba: {  	v14 =	vmul.f32 v14, v14;
	v17 =	vadd.f32 v17, v22  }
0x2bb: {  	v62 =	vld [tilespmem:s14+$0x1200]  }
0x2bc: {  	v10 =	vmul.f32 v10, v10;
	v14 =	vadd.f32 v14, v17  }
0x2bd: {  	v61 =	vmul.f32 v15, v15;
	v63 =	vld [tilespmem:s14+$0x1210]  }
0x2be: {  	v10 =	vadd.f32 v10, v14;
	v26 =	vmul.f32 v18, v18;
	v27 =	vmul.f32 v60, v60  }
0x2bf: {  	v9 =	vmul.f32 v9, v9;
	v29 =	vld [tilespmem:s14+$0x2200]  }
0x2c0: {  	v10 =	vadd.f32 v61, v10;
	v30 =	vld [tilespmem:s14+$0x5200];
	v31 =	vmul.f32 v62, v62;
	v19 =	vadd.f32 v27, v26  }
0x2c1: {  	v28 =	vmul.f32 v12, v12;
	v7 =	vmul.f32 v7, v7;
	v32 =	vld [tilespmem:s14+$0x2210]  }
0x2c2: {  	v33 =	vld [tilespmem:s14+$0x3200];
	v9 =	vadd.f32 v9, v10;
	v34 =	vmul.f32 v63, v63;
	v19 =	vadd.f32 v31, v19  }
0x2c3: {  	v36 =	vmul.f32 v11, v11;
	v6 =	vmul.f32 v6, v6;
	v35 =	vld [tilespmem:s14+$0x7200]  }
0x2c4: {  	v39 =	vld [tilespmem:s14+$0x3210];
	v9 =	vadd.f32 v28, v9;
	v38 =	vmul.f32 v29, v29;
	v19 =	vadd.f32 v34, v19  }
0x2c5: {  	v8 =	vmul.f32 v8, v8;
	v4 =	vmul.f32 v4, v4;
	v24 =	vld [tilespmem:s14+$0x6200]  }
0x2c6: {  	v37 =	vld [tilespmem:s14+$0x4200];
	v40 =	vmul.f32 v32, v32;
	v7 =	vadd.f32 v7, v9;
	v19 =	vadd.f32 v38, v19  }
0x2c7: {  	v5 =	vmul.f32 v5, v5;
	v1 =	vmul.f32 v1, v1;
	v41 =	vld [tilespmem:s14+$0x6210]  }
0x2c8: {  	v44 =	vld [tilespmem:s14+$0x4210];
	v43 =	vmul.f32 v33, v33;
	v7 =	vadd.f32 v36, v7;
	v42 =	vadd.f32 v40, v19  }
0x2c9: {  	v13 =	vadd.f32 v16, v13;
	v2 =	vmul.f32 v2, v2;
	v45 =	vld [tilespmem:s14+$0x7210];
	v46 =	vmul.f32 v39, v39  }
0x2ca: {  	v47 =	vmul.f32 v24, v18;
	v6 =	vadd.f32 v6, v7;
	v7 =	vadd.f32 v43, v42  }
0x2cb: {  	v25 =	vsub.f32 v30, v33;
	v18 =	vmul.f32 v35, v18;
	v11 =	vmul.f32 v37, v37  }
0x2cc: {  	v48 =	vmul.f32 v35, v62;
	v15 =	vmul.f32 v24, v62;
	v26 =	vld [tilespmem:s14+$0x5210];
	v7 =	vadd.f32 v46, v7  }
0x2cd: {  	v12 =	vsub.f32 v37, v29;
	v49 =	vmul.f32 v44, v44;
	v50 =	vmul.f32 v41, v63  }
0x2ce: {  	v17 =	vmul.f32 v45, v60;
	v4 =	vadd.f32 v4, v6;
	v7 =	vadd.f32 v11, v7  }
0x2cf: {  	v52 =	vmul.f32 v30, v30;
	v10 =	vsub.f32 v44, v32;
	v54 =	vadd.f32 v18, v15  }
0x2d0: {  	v53 =	vmul.f32 v45, v63;
	v4 =	vadd.f32 v4, v5;
	v51 =	vadd.f32 v49, v7  }
0x2d1: {  	v27 =	vmul.f32 v41, v60;
	v9 =	vsub.f32 v26, v39;
	v5 =	vsub.f32 v47, v48  }
0x2d2: {  	v55 =	vmul.f32 v26, v26;
	v2 =	vadd.f32 v4, v2;
	v6 =	vadd.f32 v52, v51  }
0x2d3: {  	v57 =	vmul.f32 v24, v24;
	v4 =	vadd.f32 v17, v50;
	v11 =	vsub.f32 v27, v53  }
0x2d4: {  	v56 =	vmul.f32 v25, v54;
	v5 =	vmul.f32 v12, v5;
	v6 =	vadd.f32 v55, v6  }
0x2d5: {  	v4 =	vmul.f32 v9, v4;
	v58 =	vmul.f32 v10, v11  }
0x2d6: {  	v8 =	vadd.f32 v13, v8;
	v60 =	vmul.f32 v41, v41;
	v59 =	vadd.f32 v6, v57  }
0x2d7: {  	v3 =	vmul.f32 v3, v3;
	v5 =	vadd.f32 v56, v5;
	v4 =	vadd.f32 v4, v58  }
0x2d8: {  	v61 =	vmul.f32 v35, v35;
	v1 =	vadd.f32 v2, v1;
	v2 =	vadd.f32 v59, v60  }
0x2d9: {  	v0 =	vadd.f32 v8, v0;
	v4 =	vadd.f32 v4, v5  }
0x2da: {  	s13 =	sadd.s32 $0x10, s13;
	v62 =	vmul.f32 v45, v45;
	v1 =	vadd.f32 v1, v3;
	v2 =	vadd.f32 v2, v61  }
0x2db: {  	[tilespmem:s13+$0x0] =	vst v4  }
0x2dc: {  	v0 =	vadd.f32 v1, v0;
	[hbm4b:s22+s21] =	stream.linear.scatter [tilespmem:s11], [sflag:$0x2], $0x800, $0x38;
	v63 =	vadd.f32 v2, v62;
	[tilespmem:$0x8A10] =	vst v63  }
0x2dd: {  	_ =	swait.ge [sflag:s30], $0x800  }
0x2de: {  	s12 =	sadd.s32 $0x1, s12;
	[sflag:s30] =	ssyncset.done $0x0;
	v0 =	vadd.f32 v63, v0  }
0x2df: {  	p0 =	sne.s32 s12, s29;
	[sflag:s30] =	ssyncadd.s32 $0xFFFFF800  }
.Ltmp4:
0x2e0: {  	s17 =	simm.s32 $0x8A00;
	[tilespmem:$0x8A00] =	vst v0;
	(pc) =	sbr.rel @p0 .LBB2_1-.Ltmp4, $4  }
0x2e1: {  	[hbm4b:s28+s21] =	stream.linear.scatter [tilespmem:s17], [sflag:$0x2], $0x10, $0x38;
	[tilespmem:$0x8A10] =	vst v63  }
0x2e2: {  	_ =	swait.ge [sflag:s30], $0x10  }
0x2e3: {  	[sflag:s30] =	ssyncset.done $0x0  }
0x2e4: {  	[sflag:s30] =	ssyncadd.s32 $0xFFFFFFF0  }
0x2e5: {  	_ =	sfence.sel $0x180000  }
0x2e6: {  	[bflag:$0x0] =	sbarrier.arrive $0xFFFF  }
0x2e7: {  	_ =	strace $0x90000047  }
0x2e8: {  	s0 =	stileid.u32;
	[bflag:$0x2] =	sbarrier.arrive $0xFFFF  }
0x2e9: {  	p0 =	sne.s32 s0, $0x0;
	s0 =	rddreg [dreg:$0x5]  }
0x2ea: {  	s0 =	sadd.s32 @!p0 $0x100000, s0  }
0x2eb: {  	[sflag:s0] =	ssyncadd.tile.s32 @!p0 $0x1;
	_ =	shalt  }
.Lfunc_end2:
_tile_overlayer_lowered:
.L_overlay_start_2:
0x2ec: {  	(tag) =	ssettag $0x2  }
0x2ed: {  	s0 =	rddreg [dreg:$0x0];
	s2 =	stileid.u32  }
0x2ee: {  	s1 =	rddreg [dreg:$0x1];
	p0 =	sne.s32 s2, $0x0  }
0x2ef: {  	s3 =	rddreg [dreg:$0x2];
	[bflag:$0x3] =	sbarrier.arrive $0xFFFF;
	s2 =	simm.s32 @!p0 $0x1C02  }
0x2f0: {  	[timem:s3], [sflag:s2] =	dma.local @!p0 [hbm:s0], s1  }
0x2f1: {  	s0 =	simm.s32 @!p0 $0x2  }
0x2f2: {  	_ =	swait.ge @!p0 [sflag:s0], s1  }
0x2f3: {  	s1 =	ssub.s32 @!p0 $0x0, s1;
	[sflag:s0] =	ssyncset.done @!p0 $0x0  }
0x2f4: {  	[sflag:s0] =	ssyncadd.s32 @!p0 s1  }
0x2f5: {  	[bflag:$0x3] =	sbarrier.arrive $0xFFFF  }
0x2f6: {  	_ =	shalt  }

</sc_bundles>
